<compile_context>
chip_gen: v7x
topology: tpu7x:2x2x1
jax: 0.10.2.dev20260603
libtpu: 0.0.44.dev20260713+nightly
codegen_flags: <defaults>
</compile_context>

<pallas_src>
import functools

import jax
import jax.numpy as jnp
import numpy as np
from jax import lax
from jax.experimental import pallas as pl
from jax.experimental.pallas import tpu as pltpu
from jax.experimental.pallas import tpu_sc as plsc

_T, _B, _D = 8192, 4, 1024
_N1 = int(_T * 0.7)
_N2 = _T - _N1
_C = 8
_NC, _NS = 2, 16
_NW = _NC * _NS


def _ceil_div(a, b):
    return -(-a // b)


def _pick_wpw(nwin):
    wpw = _ceil_div(nwin, _NW)
    while wpw % 4 != 3:
        wpw += 1
    return wpw


_WPW1 = _pick_wpw(_ceil_div(_N1, _C))
_WPW2 = _pick_wpw(_ceil_div(_N2, _C))


def _sc_body(x_ref, o1_ref, o2_ref, shared, tbuf0, tbuf1,
             gsem0, gsem1, gsem2, gsem3, ssem0, ssem1, ssem2, ssem3):
    wid = lax.axis_index("s") * _NC + lax.axis_index("c")
    sid = lax.axis_index("s")
    bufs = (tbuf0, tbuf1, shared.at[sid, 0], shared.at[sid, 1])
    gsems = (gsem0, gsem1, gsem2, gsem3)
    ssems = (ssem0, ssem1, ssem2, ssem3)

    def phase(out_ref, wpw, nmin):
        nb = 4
        base_w = wid * wpw

        def g_copy(r, b):
            ob = jnp.minimum((base_w + r) * _C, nmin)
            return pltpu.make_async_copy(
                x_ref.at[pl.ds(ob, _C)], bufs[b], gsems[b])

        def s_copy(r, b):
            ob = jnp.minimum((base_w + r) * _C, nmin)
            return pltpu.make_async_copy(
                bufs[b], out_ref.at[pl.ds(ob, _C)], ssems[b])

        for b in range(nb):
            g_copy(b, b).start()
        for r in range(nb - 1):
            g_copy(r, r % nb).wait()
            s_copy(r, r % nb).start()

        def body(i, carry):
            for j in range(nb):
                r = (nb - 1) + i * nb + j
                b = (nb - 1 + j) % nb
                s_copy(r - (nb - 1), j).wait()
                g_copy(jnp.minimum(r + 1, wpw - 1), j).start()
                g_copy(r, b).wait()
                s_copy(r, b).start()
            return carry

        lax.fori_loop(0, (wpw - (nb - 1)) // nb, body, 0)
        for r in range(wpw - (nb - 1), wpw):
            s_copy(r, r % nb).wait()
        g_copy(wpw - 1, wpw % nb).wait()

    phase(o1_ref, _WPW1, _N1 - _C)
    phase(o2_ref, _WPW2, _N2 - _C)


@functools.cache
def _sc_call():
    return functools.partial(
        pl.kernel,
        out_type=(
            jax.ShapeDtypeStruct((_N1, _B, _D), jnp.float32),
            jax.ShapeDtypeStruct((_N2, _B, _D), jnp.float32),
        ),
        mesh=plsc.VectorSubcoreMesh(core_axis_name="c", subcore_axis_name="s",
                                    num_cores=_NC, num_subcores=_NS),
        scratch_types=[
            pltpu.VMEM_SHARED((_NS, 2, _C, _B, _D), jnp.float32),
            pltpu.VMEM((_C, _B, _D), jnp.float32),
            pltpu.VMEM((_C, _B, _D), jnp.float32),
            pltpu.SemaphoreType.DMA,
            pltpu.SemaphoreType.DMA,
            pltpu.SemaphoreType.DMA,
            pltpu.SemaphoreType.DMA,
            pltpu.SemaphoreType.DMA,
            pltpu.SemaphoreType.DMA,
            pltpu.SemaphoreType.DMA,
            pltpu.SemaphoreType.DMA,
        ],
    )(_sc_body)


def kernel(x):
    return _sc_call()(x)

# --- scband reference (transcript-rebuilt; emitter-appended) ---
"""Pipeline reference for scband-select-random-layer-57062935494834 (READ-ONLY COPY).

The authoritative reference and input builder live on the scoring server;
editing this copy changes nothing except your own understanding.
"""

import jax, jax.numpy as jnp
import numpy as np

T, B, D = 8192, 4, 1024
RATIO = 0.7


def setup_inputs(seed: int = 0) -> dict:
    key = jax.random.key(seed)
    x = jax.random.normal(key, (T, B, D), dtype=jnp.float32)
    return {"x": x}


def reference(x):
    # Faithful translation of SelectRandomLayer.forward:
    # randomly partition token indices into a selected set (ratio=0.7) and the
    # remainder; both index lists end up sorted (torch version sorts `index`,
    # and `pop_index` stays sorted because pops preserve relative order).
    t = x.shape[0]
    n_sel = int(t * RATIO)
    perm = jax.random.permutation(jax.random.key(42), t)
    idx1 = jnp.sort(perm[:n_sel])
    idx2 = jnp.sort(perm[n_sel:])
    x1 = jnp.take(x, idx1, axis=0)
    x2 = jnp.take(x, idx2, axis=0)
    return (x1, x2)

if __name__ == "__main__":
    import jax
    _d = setup_inputs()
    print(jax.jit(kernel)(*tuple(_d.values())))

</pallas_src>

<mosaic_0001>
#map = affine_map<(d0, d1) -> (0, 0, 0)>
module attributes {stable_mosaic.version = 14 : i64} {
  func.func @_sc_body(%arg0: i32, %arg1: i32, %arg2: memref<8192x4x1024xf32, #tpu.memory_space<hbm>>, %arg3: memref<5734x4x1024xf32, #tpu.memory_space<hbm>>, %arg4: memref<2458x4x1024xf32, #tpu.memory_space<hbm>>, %arg5: memref<16x2x8x4x1024xf32, #tpu.memory_space<vmem_shared>>, %arg6: memref<8x4x1024xf32, #tpu.memory_space<vmem>>, %arg7: memref<8x4x1024xf32, #tpu.memory_space<vmem>>, %arg8: memref<!tpu.dma_semaphore, #tpu.memory_space<semaphore_mem>>, %arg9: memref<!tpu.dma_semaphore, #tpu.memory_space<semaphore_mem>>, %arg10: memref<!tpu.dma_semaphore, #tpu.memory_space<semaphore_mem>>, %arg11: memref<!tpu.dma_semaphore, #tpu.memory_space<semaphore_mem>>, %arg12: memref<!tpu.dma_semaphore, #tpu.memory_space<semaphore_mem>>, %arg13: memref<!tpu.dma_semaphore, #tpu.memory_space<semaphore_mem>>, %arg14: memref<!tpu.dma_semaphore, #tpu.memory_space<semaphore_mem>>, %arg15: memref<!tpu.dma_semaphore, #tpu.memory_space<semaphore_mem>>) attributes {dimension_semantics = [#tpu.dimension_semantics<core_parallel>, #tpu.dimension_semantics<subcore_parallel>], iteration_bounds = array<i64: 2, 16>, scalar_prefetch = 0 : i64, scratch_operands = 11 : i64, tpu.core_type = #tpu.core_type<sc_vector_subcore>, window_params = [{transform_indices = #map}, {transform_indices = #map}, {transform_indices = #map}]} {
    %mul3A = arith.constant 2 : i32
    %mul3A_0 = arith.muli %arg1, %mul3A : i32
    %add3A = arith.addi %mul3A_0, %arg0 : i32
    %mul3A_1 = arith.constant 23 : i32
    %mul3A_2 = arith.muli %add3A, %mul3A_1 : i32
    %add3A_3 = arith.constant 0 : i32
    %add3A_4 = arith.addi %mul3A_2, %add3A_3 : i32
    %mul3A_5 = arith.constant 8 : i32
    %mul3A_6 = arith.muli %add3A_4, %mul3A_5 : i32
    %min3A = arith.constant 5726 : i32
    %min3A_7 = arith.minsi %mul3A_6, %min3A : i32
    %dma_start3A = arith.constant 0 : i32
    %dma_start3A_8 = arith.constant 0 : i32
    %dma_start3A_9 = tpu.memref_slice %arg2[%min3A_7, %dma_start3A, %dma_start3A_8] : memref<8192x4x1024xf32, #tpu.memory_space<hbm>> -> memref<8x4x1024xf32, #tpu.memory_space<hbm>>
    %dma_start3A_10 = arith.constant 0 : i32
    %dma_start3A_11 = arith.constant 0 : i32
    %dma_start3A_12 = tpu.memref_slice %arg2[%min3A_7, %dma_start3A_10, %dma_start3A_11] : memref<8192x4x1024xf32, #tpu.memory_space<hbm>> -> memref<8x4x1024xf32, #tpu.memory_space<hbm>>
    tpu.enqueue_dma source(%dma_start3A_12 : memref<8x4x1024xf32, #tpu.memory_space<hbm>>) target(%arg6 : memref<8x4x1024xf32, #tpu.memory_space<vmem>>) target_semaphore(%arg8 : memref<!tpu.dma_semaphore, #tpu.memory_space<semaphore_mem>>)
    %add3A_13 = arith.constant 1 : i32
    %add3A_14 = arith.addi %mul3A_2, %add3A_13 : i32
    %mul3A_15 = arith.constant 8 : i32
    %mul3A_16 = arith.muli %add3A_14, %mul3A_15 : i32
    %min3A_17 = arith.constant 5726 : i32
    %min3A_18 = arith.minsi %mul3A_16, %min3A_17 : i32
    %dma_start3A_19 = arith.constant 0 : i32
    %dma_start3A_20 = arith.constant 0 : i32
    %dma_start3A_21 = tpu.memref_slice %arg2[%min3A_18, %dma_start3A_19, %dma_start3A_20] : memref<8192x4x1024xf32, #tpu.memory_space<hbm>> -> memref<8x4x1024xf32, #tpu.memory_space<hbm>>
    %dma_start3A_22 = arith.constant 0 : i32
    %dma_start3A_23 = arith.constant 0 : i32
    %dma_start3A_24 = tpu.memref_slice %arg2[%min3A_18, %dma_start3A_22, %dma_start3A_23] : memref<8192x4x1024xf32, #tpu.memory_space<hbm>> -> memref<8x4x1024xf32, #tpu.memory_space<hbm>>
    tpu.enqueue_dma source(%dma_start3A_24 : memref<8x4x1024xf32, #tpu.memory_space<hbm>>) target(%arg7 : memref<8x4x1024xf32, #tpu.memory_space<vmem>>) target_semaphore(%arg9 : memref<!tpu.dma_semaphore, #tpu.memory_space<semaphore_mem>>)
    %add3A_25 = arith.constant 2 : i32
    %add3A_26 = arith.addi %mul3A_2, %add3A_25 : i32
    %mul3A_27 = arith.constant 8 : i32
    %mul3A_28 = arith.muli %add3A_26, %mul3A_27 : i32
    %min3A_29 = arith.constant 5726 : i32
    %min3A_30 = arith.minsi %mul3A_28, %min3A_29 : i32
    %dma_start3A_31 = arith.constant 0 : i32
    %dma_start3A_32 = arith.constant 0 : i32
    %dma_start3A_33 = arith.constant 0 : i32
    %dma_start3A_34 = arith.constant 0 : i32
    %dma_start3A_35 = tpu.memref_slice %arg5[%arg1, %dma_start3A_31, %dma_start3A_32, %dma_start3A_33, %dma_start3A_34] : memref<16x2x8x4x1024xf32, #tpu.memory_space<vmem_shared>> -> memref<1x1x8x4x1024xf32, #tpu.memory_space<vmem_shared>>
    %dma_start3A_36 = tpu.memref_squeeze %dma_start3A_35 : memref<1x1x8x4x1024xf32, #tpu.memory_space<vmem_shared>> -> memref<8x4x1024xf32, #tpu.memory_space<vmem_shared>>
    %dma_start3A_37 = arith.constant 0 : i32
    %dma_start3A_38 = arith.constant 0 : i32
    %dma_start3A_39 = tpu.memref_slice %arg2[%min3A_30, %dma_start3A_37, %dma_start3A_38] : memref<8192x4x1024xf32, #tpu.memory_space<hbm>> -> memref<8x4x1024xf32, #tpu.memory_space<hbm>>
    tpu.enqueue_dma source(%dma_start3A_39 : memref<8x4x1024xf32, #tpu.memory_space<hbm>>) target(%dma_start3A_36 : memref<8x4x1024xf32, #tpu.memory_space<vmem_shared>>) target_semaphore(%arg10 : memref<!tpu.dma_semaphore, #tpu.memory_space<semaphore_mem>>)
    %add3A_40 = arith.constant 3 : i32
    %add3A_41 = arith.addi %mul3A_2, %add3A_40 : i32
    %mul3A_42 = arith.constant 8 : i32
    %mul3A_43 = arith.muli %add3A_41, %mul3A_42 : i32
    %min3A_44 = arith.constant 5726 : i32
    %min3A_45 = arith.minsi %mul3A_43, %min3A_44 : i32
    %dma_start3A_46 = arith.constant 1 : i32
    %dma_start3A_47 = arith.constant 0 : i32
    %dma_start3A_48 = arith.constant 0 : i32
    %dma_start3A_49 = arith.constant 0 : i32
    %dma_start3A_50 = tpu.memref_slice %arg5[%arg1, %dma_start3A_46, %dma_start3A_47, %dma_start3A_48, %dma_start3A_49] : memref<16x2x8x4x1024xf32, #tpu.memory_space<vmem_shared>> -> memref<1x1x8x4x1024xf32, #tpu.memory_space<vmem_shared>>
    %dma_start3A_51 = tpu.memref_squeeze %dma_start3A_50 : memref<1x1x8x4x1024xf32, #tpu.memory_space<vmem_shared>> -> memref<8x4x1024xf32, #tpu.memory_space<vmem_shared>>
    %dma_start3A_52 = arith.constant 0 : i32
    %dma_start3A_53 = arith.constant 0 : i32
    %dma_start3A_54 = tpu.memref_slice %arg2[%min3A_45, %dma_start3A_52, %dma_start3A_53] : memref<8192x4x1024xf32, #tpu.memory_space<hbm>> -> memref<8x4x1024xf32, #tpu.memory_space<hbm>>
    tpu.enqueue_dma source(%dma_start3A_54 : memref<8x4x1024xf32, #tpu.memory_space<hbm>>) target(%dma_start3A_51 : memref<8x4x1024xf32, #tpu.memory_space<vmem_shared>>) target_semaphore(%arg11 : memref<!tpu.dma_semaphore, #tpu.memory_space<semaphore_mem>>)
    %add3A_55 = arith.constant 0 : i32
    %add3A_56 = arith.addi %mul3A_2, %add3A_55 : i32
    %mul3A_57 = arith.constant 8 : i32
    %mul3A_58 = arith.muli %add3A_56, %mul3A_57 : i32
    %min3A_59 = arith.constant 5726 : i32
    %min3A_60 = arith.minsi %mul3A_58, %min3A_59 : i32
    %dma_wait3A = arith.constant 0 : i32
    %dma_wait3A_61 = arith.constant 0 : i32
    %dma_wait3A_62 = tpu.memref_slice %arg2[%min3A_60, %dma_wait3A, %dma_wait3A_61] : memref<8192x4x1024xf32, #tpu.memory_space<hbm>> -> memref<8x4x1024xf32, #tpu.memory_space<hbm>>
    %dma_wait3A_63 = arith.constant 0 : i32
    %dma_wait3A_64 = arith.constant 0 : i32
    %dma_wait3A_65 = tpu.memref_slice %arg2[%min3A_60, %dma_wait3A_63, %dma_wait3A_64] : memref<8192x4x1024xf32, #tpu.memory_space<hbm>> -> memref<8x4x1024xf32, #tpu.memory_space<hbm>>
    tpu.wait_dma2 semaphore(%arg8 : memref<!tpu.dma_semaphore, #tpu.memory_space<semaphore_mem>>) src(%dma_wait3A_65 : memref<8x4x1024xf32, #tpu.memory_space<hbm>>) dst(%arg6 : memref<8x4x1024xf32, #tpu.memory_space<vmem>>)
    %add3A_66 = arith.constant 0 : i32
    %add3A_67 = arith.addi %mul3A_2, %add3A_66 : i32
    %mul3A_68 = arith.constant 8 : i32
    %mul3A_69 = arith.muli %add3A_67, %mul3A_68 : i32
    %min3A_70 = arith.constant 5726 : i32
    %min3A_71 = arith.minsi %mul3A_69, %min3A_70 : i32
    %dma_start3A_72 = arith.constant 0 : i32
    %dma_start3A_73 = arith.constant 0 : i32
    %dma_start3A_74 = tpu.memref_slice %arg3[%min3A_71, %dma_start3A_72, %dma_start3A_73] : memref<5734x4x1024xf32, #tpu.memory_space<hbm>> -> memref<8x4x1024xf32, #tpu.memory_space<hbm>>
    %dma_start3A_75 = arith.constant 0 : i32
    %dma_start3A_76 = arith.constant 0 : i32
    %dma_start3A_77 = tpu.memref_slice %arg3[%min3A_71, %dma_start3A_75, %dma_start3A_76] : memref<5734x4x1024xf32, #tpu.memory_space<hbm>> -> memref<8x4x1024xf32, #tpu.memory_space<hbm>>
    tpu.enqueue_dma source(%arg6 : memref<8x4x1024xf32, #tpu.memory_space<vmem>>) target(%dma_start3A_77 : memref<8x4x1024xf32, #tpu.memory_space<hbm>>) target_semaphore(%arg12 : memref<!tpu.dma_semaphore, #tpu.memory_space<semaphore_mem>>)
    %add3A_78 = arith.constant 1 : i32
    %add3A_79 = arith.addi %mul3A_2, %add3A_78 : i32
    %mul3A_80 = arith.constant 8 : i32
    %mul3A_81 = arith.muli %add3A_79, %mul3A_80 : i32
    %min3A_82 = arith.constant 5726 : i32
    %min3A_83 = arith.minsi %mul3A_81, %min3A_82 : i32
    %dma_wait3A_84 = arith.constant 0 : i32
    %dma_wait3A_85 = arith.constant 0 : i32
    %dma_wait3A_86 = tpu.memref_slice %arg2[%min3A_83, %dma_wait3A_84, %dma_wait3A_85] : memref<8192x4x1024xf32, #tpu.memory_space<hbm>> -> memref<8x4x1024xf32, #tpu.memory_space<hbm>>
    %dma_wait3A_87 = arith.constant 0 : i32
    %dma_wait3A_88 = arith.constant 0 : i32
    %dma_wait3A_89 = tpu.memref_slice %arg2[%min3A_83, %dma_wait3A_87, %dma_wait3A_88] : memref<8192x4x1024xf32, #tpu.memory_space<hbm>> -> memref<8x4x1024xf32, #tpu.memory_space<hbm>>
    tpu.wait_dma2 semaphore(%arg9 : memref<!tpu.dma_semaphore, #tpu.memory_space<semaphore_mem>>) src(%dma_wait3A_89 : memref<8x4x1024xf32, #tpu.memory_space<hbm>>) dst(%arg7 : memref<8x4x1024xf32, #tpu.memory_space<vmem>>)
    %add3A_90 = arith.constant 1 : i32
    %add3A_91 = arith.addi %mul3A_2, %add3A_90 : i32
    %mul3A_92 = arith.constant 8 : i32
    %mul3A_93 = arith.muli %add3A_91, %mul3A_92 : i32
    %min3A_94 = arith.constant 5726 : i32
    %min3A_95 = arith.minsi %mul3A_93, %min3A_94 : i32
    %dma_start3A_96 = arith.constant 0 : i32
    %dma_start3A_97 = arith.constant 0 : i32
    %dma_start3A_98 = tpu.memref_slice %arg3[%min3A_95, %dma_start3A_96, %dma_start3A_97] : memref<5734x4x1024xf32, #tpu.memory_space<hbm>> -> memref<8x4x1024xf32, #tpu.memory_space<hbm>>
    %dma_start3A_99 = arith.constant 0 : i32
    %dma_start3A_100 = arith.constant 0 : i32
    %dma_start3A_101 = tpu.memref_slice %arg3[%min3A_95, %dma_start3A_99, %dma_start3A_100] : memref<5734x4x1024xf32, #tpu.memory_space<hbm>> -> memref<8x4x1024xf32, #tpu.memory_space<hbm>>
    tpu.enqueue_dma source(%arg7 : memref<8x4x1024xf32, #tpu.memory_space<vmem>>) target(%dma_start3A_101 : memref<8x4x1024xf32, #tpu.memory_space<hbm>>) target_semaphore(%arg13 : memref<!tpu.dma_semaphore, #tpu.memory_space<semaphore_mem>>)
    %add3A_102 = arith.constant 2 : i32
    %add3A_103 = arith.addi %mul3A_2, %add3A_102 : i32
    %mul3A_104 = arith.constant 8 : i32
    %mul3A_105 = arith.muli %add3A_103, %mul3A_104 : i32
    %min3A_106 = arith.constant 5726 : i32
    %min3A_107 = arith.minsi %mul3A_105, %min3A_106 : i32
    %dma_wait3A_108 = arith.constant 0 : i32
    %dma_wait3A_109 = arith.constant 0 : i32
    %dma_wait3A_110 = arith.constant 0 : i32
    %dma_wait3A_111 = arith.constant 0 : i32
    %dma_wait3A_112 = tpu.memref_slice %arg5[%arg1, %dma_wait3A_108, %dma_wait3A_109, %dma_wait3A_110, %dma_wait3A_111] : memref<16x2x8x4x1024xf32, #tpu.memory_space<vmem_shared>> -> memref<1x1x8x4x1024xf32, #tpu.memory_space<vmem_shared>>
    %dma_wait3A_113 = tpu.memref_squeeze %dma_wait3A_112 : memref<1x1x8x4x1024xf32, #tpu.memory_space<vmem_shared>> -> memref<8x4x1024xf32, #tpu.memory_space<vmem_shared>>
    %dma_wait3A_114 = arith.constant 0 : i32
    %dma_wait3A_115 = arith.constant 0 : i32
    %dma_wait3A_116 = tpu.memref_slice %arg2[%min3A_107, %dma_wait3A_114, %dma_wait3A_115] : memref<8192x4x1024xf32, #tpu.memory_space<hbm>> -> memref<8x4x1024xf32, #tpu.memory_space<hbm>>
    tpu.wait_dma2 semaphore(%arg10 : memref<!tpu.dma_semaphore, #tpu.memory_space<semaphore_mem>>) src(%dma_wait3A_116 : memref<8x4x1024xf32, #tpu.memory_space<hbm>>) dst(%dma_wait3A_113 : memref<8x4x1024xf32, #tpu.memory_space<vmem_shared>>)
    %add3A_117 = arith.constant 2 : i32
    %add3A_118 = arith.addi %mul3A_2, %add3A_117 : i32
    %mul3A_119 = arith.constant 8 : i32
    %mul3A_120 = arith.muli %add3A_118, %mul3A_119 : i32
    %min3A_121 = arith.constant 5726 : i32
    %min3A_122 = arith.minsi %mul3A_120, %min3A_121 : i32
    %dma_start3A_123 = arith.constant 0 : i32
    %dma_start3A_124 = arith.constant 0 : i32
    %dma_start3A_125 = arith.constant 0 : i32
    %dma_start3A_126 = tpu.memref_slice %arg3[%min3A_122, %dma_start3A_124, %dma_start3A_125] : memref<5734x4x1024xf32, #tpu.memory_space<hbm>> -> memref<8x4x1024xf32, #tpu.memory_space<hbm>>
    %dma_start3A_127 = arith.constant 0 : i32
    %dma_start3A_128 = arith.constant 0 : i32
    %dma_start3A_129 = arith.constant 0 : i32
    %dma_start3A_130 = tpu.memref_slice %arg5[%arg1, %dma_start3A_123, %dma_start3A_127, %dma_start3A_128, %dma_start3A_129] : memref<16x2x8x4x1024xf32, #tpu.memory_space<vmem_shared>> -> memref<1x1x8x4x1024xf32, #tpu.memory_space<vmem_shared>>
    %dma_start3A_131 = tpu.memref_squeeze %dma_start3A_130 : memref<1x1x8x4x1024xf32, #tpu.memory_space<vmem_shared>> -> memref<8x4x1024xf32, #tpu.memory_space<vmem_shared>>
    tpu.enqueue_dma source(%dma_start3A_131 : memref<8x4x1024xf32, #tpu.memory_space<vmem_shared>>) target(%dma_start3A_126 : memref<8x4x1024xf32, #tpu.memory_space<hbm>>) target_semaphore(%arg14 : memref<!tpu.dma_semaphore, #tpu.memory_space<semaphore_mem>>)
    %scan3A = arith.constant 0 : i32
    %scan3A_132 = arith.constant 1 : i32
    %scan3A_133 = arith.constant 0 : i32
    %scan3A_134 = arith.constant 0 : i32
    %scan3A_135 = arith.constant 5 : i32
    %scan3A_136 = arith.addi %scan3A_134, %scan3A_135 : i32
    %scan3A_137 = arith.constant 1 : i32
    scf.for %scan3A_389 = %scan3A_134 to %scan3A_136 step %scan3A_137  : i32 {
      %mul3A_390 = arith.constant 4 : i32
      %mul3A_391 = arith.muli %scan3A_389, %mul3A_390 : i32
      %add3A_392 = arith.constant 3 : i32
      %add3A_393 = arith.addi %add3A_392, %mul3A_391 : i32
      %add3A_394 = arith.constant 0 : i32
      %add3A_395 = arith.addi %add3A_393, %add3A_394 : i32
      %sub3A = arith.constant 3 : i32
      %sub3A_396 = arith.subi %add3A_395, %sub3A : i32
      %add3A_397 = arith.addi %mul3A_2, %sub3A_396 : i32
      %mul3A_398 = arith.constant 8 : i32
      %mul3A_399 = arith.muli %add3A_397, %mul3A_398 : i32
      %min3A_400 = arith.constant 5726 : i32
      %min3A_401 = arith.minsi %mul3A_399, %min3A_400 : i32
      %dma_wait3A_402 = arith.constant 0 : i32
      %dma_wait3A_403 = arith.constant 0 : i32
      %dma_wait3A_404 = tpu.memref_slice %arg3[%min3A_401, %dma_wait3A_402, %dma_wait3A_403] : memref<5734x4x1024xf32, #tpu.memory_space<hbm>> -> memref<8x4x1024xf32, #tpu.memory_space<hbm>>
      %dma_wait3A_405 = arith.constant 0 : i32
      %dma_wait3A_406 = arith.constant 0 : i32
      %dma_wait3A_407 = tpu.memref_slice %arg3[%min3A_401, %dma_wait3A_405, %dma_wait3A_406] : memref<5734x4x1024xf32, #tpu.memory_space<hbm>> -> memref<8x4x1024xf32, #tpu.memory_space<hbm>>
      tpu.wait_dma2 semaphore(%arg12 : memref<!tpu.dma_semaphore, #tpu.memory_space<semaphore_mem>>) src(%arg6 : memref<8x4x1024xf32, #tpu.memory_space<vmem>>) dst(%dma_wait3A_407 : memref<8x4x1024xf32, #tpu.memory_space<hbm>>)
      %add3A_408 = arith.constant 1 : i32
      %add3A_409 = arith.addi %add3A_395, %add3A_408 : i32
      %min3A_410 = arith.constant 22 : i32
      %min3A_411 = arith.minsi %add3A_409, %min3A_410 : i32
      %add3A_412 = arith.addi %mul3A_2, %min3A_411 : i32
      %mul3A_413 = arith.constant 8 : i32
      %mul3A_414 = arith.muli %add3A_412, %mul3A_413 : i32
      %min3A_415 = arith.constant 5726 : i32
      %min3A_416 = arith.minsi %mul3A_414, %min3A_415 : i32
      %dma_start3A_417 = arith.constant 0 : i32
      %dma_start3A_418 = arith.constant 0 : i32
      %dma_start3A_419 = tpu.memref_slice %arg2[%min3A_416, %dma_start3A_417, %dma_start3A_418] : memref<8192x4x1024xf32, #tpu.memory_space<hbm>> -> memref<8x4x1024xf32, #tpu.memory_space<hbm>>
      %dma_start3A_420 = arith.constant 0 : i32
      %dma_start3A_421 = arith.constant 0 : i32
      %dma_start3A_422 = tpu.memref_slice %arg2[%min3A_416, %dma_start3A_420, %dma_start3A_421] : memref<8192x4x1024xf32, #tpu.memory_space<hbm>> -> memref<8x4x1024xf32, #tpu.memory_space<hbm>>
      tpu.enqueue_dma source(%dma_start3A_422 : memref<8x4x1024xf32, #tpu.memory_space<hbm>>) target(%arg6 : memref<8x4x1024xf32, #tpu.memory_space<vmem>>) target_semaphore(%arg8 : memref<!tpu.dma_semaphore, #tpu.memory_space<semaphore_mem>>)
      %add3A_423 = arith.addi %mul3A_2, %add3A_395 : i32
      %mul3A_424 = arith.constant 8 : i32
      %mul3A_425 = arith.muli %add3A_423, %mul3A_424 : i32
      %min3A_426 = arith.constant 5726 : i32
      %min3A_427 = arith.minsi %mul3A_425, %min3A_426 : i32
      %dma_wait3A_428 = arith.constant 0 : i32
      %dma_wait3A_429 = arith.constant 0 : i32
      %dma_wait3A_430 = arith.constant 0 : i32
      %dma_wait3A_431 = tpu.memref_slice %arg5[%arg1, %scan3A_132, %dma_wait3A_428, %dma_wait3A_429, %dma_wait3A_430] : memref<16x2x8x4x1024xf32, #tpu.memory_space<vmem_shared>> -> memref<1x1x8x4x1024xf32, #tpu.memory_space<vmem_shared>>
      %dma_wait3A_432 = tpu.memref_squeeze %dma_wait3A_431 : memref<1x1x8x4x1024xf32, #tpu.memory_space<vmem_shared>> -> memref<8x4x1024xf32, #tpu.memory_space<vmem_shared>>
      %dma_wait3A_433 = arith.constant 0 : i32
      %dma_wait3A_434 = arith.constant 0 : i32
      %dma_wait3A_435 = tpu.memref_slice %arg2[%min3A_427, %dma_wait3A_433, %dma_wait3A_434] : memref<8192x4x1024xf32, #tpu.memory_space<hbm>> -> memref<8x4x1024xf32, #tpu.memory_space<hbm>>
      tpu.wait_dma2 semaphore(%arg11 : memref<!tpu.dma_semaphore, #tpu.memory_space<semaphore_mem>>) src(%dma_wait3A_435 : memref<8x4x1024xf32, #tpu.memory_space<hbm>>) dst(%dma_wait3A_432 : memref<8x4x1024xf32, #tpu.memory_space<vmem_shared>>)
      %add3A_436 = arith.addi %mul3A_2, %add3A_395 : i32
      %mul3A_437 = arith.constant 8 : i32
      %mul3A_438 = arith.muli %add3A_436, %mul3A_437 : i32
      %min3A_439 = arith.constant 5726 : i32
      %min3A_440 = arith.minsi %mul3A_438, %min3A_439 : i32
      %dma_start3A_441 = arith.constant 0 : i32
      %dma_start3A_442 = arith.constant 0 : i32
      %dma_start3A_443 = tpu.memref_slice %arg3[%min3A_440, %dma_start3A_441, %dma_start3A_442] : memref<5734x4x1024xf32, #tpu.memory_space<hbm>> -> memref<8x4x1024xf32, #tpu.memory_space<hbm>>
      %dma_start3A_444 = arith.constant 0 : i32
      %dma_start3A_445 = arith.constant 0 : i32
      %dma_start3A_446 = arith.constant 0 : i32
      %dma_start3A_447 = tpu.memref_slice %arg5[%arg1, %scan3A_132, %dma_start3A_444, %dma_start3A_445, %dma_start3A_446] : memref<16x2x8x4x1024xf32, #tpu.memory_space<vmem_shared>> -> memref<1x1x8x4x1024xf32, #tpu.memory_space<vmem_shared>>
      %dma_start3A_448 = tpu.memref_squeeze %dma_start3A_447 : memref<1x1x8x4x1024xf32, #tpu.memory_space<vmem_shared>> -> memref<8x4x1024xf32, #tpu.memory_space<vmem_shared>>
      tpu.enqueue_dma source(%dma_start3A_448 : memref<8x4x1024xf32, #tpu.memory_space<vmem_shared>>) target(%dma_start3A_443 : memref<8x4x1024xf32, #tpu.memory_space<hbm>>) target_semaphore(%arg15 : memref<!tpu.dma_semaphore, #tpu.memory_space<semaphore_mem>>)
      %mul3A_449 = arith.constant 4 : i32
      %mul3A_450 = arith.muli %scan3A_389, %mul3A_449 : i32
      %add3A_451 = arith.constant 3 : i32
      %add3A_452 = arith.addi %add3A_451, %mul3A_450 : i32
      %add3A_453 = arith.constant 1 : i32
      %add3A_454 = arith.addi %add3A_452, %add3A_453 : i32
      %sub3A_455 = arith.constant 3 : i32
      %sub3A_456 = arith.subi %add3A_454, %sub3A_455 : i32
      %add3A_457 = arith.addi %mul3A_2, %sub3A_456 : i32
      %mul3A_458 = arith.constant 8 : i32
      %mul3A_459 = arith.muli %add3A_457, %mul3A_458 : i32
      %min3A_460 = arith.constant 5726 : i32
      %min3A_461 = arith.minsi %mul3A_459, %min3A_460 : i32
      %dma_wait3A_462 = arith.constant 0 : i32
      %dma_wait3A_463 = arith.constant 0 : i32
      %dma_wait3A_464 = tpu.memref_slice %arg3[%min3A_461, %dma_wait3A_462, %dma_wait3A_463] : memref<5734x4x1024xf32, #tpu.memory_space<hbm>> -> memref<8x4x1024xf32, #tpu.memory_space<hbm>>
      %dma_wait3A_465 = arith.constant 0 : i32
      %dma_wait3A_466 = arith.constant 0 : i32
      %dma_wait3A_467 = tpu.memref_slice %arg3[%min3A_461, %dma_wait3A_465, %dma_wait3A_466] : memref<5734x4x1024xf32, #tpu.memory_space<hbm>> -> memref<8x4x1024xf32, #tpu.memory_space<hbm>>
      tpu.wait_dma2 semaphore(%arg13 : memref<!tpu.dma_semaphore, #tpu.memory_space<semaphore_mem>>) src(%arg7 : memref<8x4x1024xf32, #tpu.memory_space<vmem>>) dst(%dma_wait3A_467 : memref<8x4x1024xf32, #tpu.memory_space<hbm>>)
      %add3A_468 = arith.constant 1 : i32
      %add3A_469 = arith.addi %add3A_454, %add3A_468 : i32
      %min3A_470 = arith.constant 22 : i32
      %min3A_471 = arith.minsi %add3A_469, %min3A_470 : i32
      %add3A_472 = arith.addi %mul3A_2, %min3A_471 : i32
      %mul3A_473 = arith.constant 8 : i32
      %mul3A_474 = arith.muli %add3A_472, %mul3A_473 : i32
      %min3A_475 = arith.constant 5726 : i32
      %min3A_476 = arith.minsi %mul3A_474, %min3A_475 : i32
      %dma_start3A_477 = arith.constant 0 : i32
      %dma_start3A_478 = arith.constant 0 : i32
      %dma_start3A_479 = tpu.memref_slice %arg2[%min3A_476, %dma_start3A_477, %dma_start3A_478] : memref<8192x4x1024xf32, #tpu.memory_space<hbm>> -> memref<8x4x1024xf32, #tpu.memory_space<hbm>>
      %dma_start3A_480 = arith.constant 0 : i32
      %dma_start3A_481 = arith.constant 0 : i32
      %dma_start3A_482 = tpu.memref_slice %arg2[%min3A_476, %dma_start3A_480, %dma_start3A_481] : memref<8192x4x1024xf32, #tpu.memory_space<hbm>> -> memref<8x4x1024xf32, #tpu.memory_space<hbm>>
      tpu.enqueue_dma source(%dma_start3A_482 : memref<8x4x1024xf32, #tpu.memory_space<hbm>>) target(%arg7 : memref<8x4x1024xf32, #tpu.memory_space<vmem>>) target_semaphore(%arg9 : memref<!tpu.dma_semaphore, #tpu.memory_space<semaphore_mem>>)
      %add3A_483 = arith.addi %mul3A_2, %add3A_454 : i32
      %mul3A_484 = arith.constant 8 : i32
      %mul3A_485 = arith.muli %add3A_483, %mul3A_484 : i32
      %min3A_486 = arith.constant 5726 : i32
      %min3A_487 = arith.minsi %mul3A_485, %min3A_486 : i32
      %dma_wait3A_488 = arith.constant 0 : i32
      %dma_wait3A_489 = arith.constant 0 : i32
      %dma_wait3A_490 = tpu.memref_slice %arg2[%min3A_487, %dma_wait3A_488, %dma_wait3A_489] : memref<8192x4x1024xf32, #tpu.memory_space<hbm>> -> memref<8x4x1024xf32, #tpu.memory_space<hbm>>
      %dma_wait3A_491 = arith.constant 0 : i32
      %dma_wait3A_492 = arith.constant 0 : i32
      %dma_wait3A_493 = tpu.memref_slice %arg2[%min3A_487, %dma_wait3A_491, %dma_wait3A_492] : memref<8192x4x1024xf32, #tpu.memory_space<hbm>> -> memref<8x4x1024xf32, #tpu.memory_space<hbm>>
      tpu.wait_dma2 semaphore(%arg8 : memref<!tpu.dma_semaphore, #tpu.memory_space<semaphore_mem>>) src(%dma_wait3A_493 : memref<8x4x1024xf32, #tpu.memory_space<hbm>>) dst(%arg6 : memref<8x4x1024xf32, #tpu.memory_space<vmem>>)
      %add3A_494 = arith.addi %mul3A_2, %add3A_454 : i32
      %mul3A_495 = arith.constant 8 : i32
      %mul3A_496 = arith.muli %add3A_494, %mul3A_495 : i32
      %min3A_497 = arith.constant 5726 : i32
      %min3A_498 = arith.minsi %mul3A_496, %min3A_497 : i32
      %dma_start3A_499 = arith.constant 0 : i32
      %dma_start3A_500 = arith.constant 0 : i32
      %dma_start3A_501 = tpu.memref_slice %arg3[%min3A_498, %dma_start3A_499, %dma_start3A_500] : memref<5734x4x1024xf32, #tpu.memory_space<hbm>> -> memref<8x4x1024xf32, #tpu.memory_space<hbm>>
      %dma_start3A_502 = arith.constant 0 : i32
      %dma_start3A_503 = arith.constant 0 : i32
      %dma_start3A_504 = tpu.memref_slice %arg3[%min3A_498, %dma_start3A_502, %dma_start3A_503] : memref<5734x4x1024xf32, #tpu.memory_space<hbm>> -> memref<8x4x1024xf32, #tpu.memory_space<hbm>>
      tpu.enqueue_dma source(%arg6 : memref<8x4x1024xf32, #tpu.memory_space<vmem>>) target(%dma_start3A_504 : memref<8x4x1024xf32, #tpu.memory_space<hbm>>) target_semaphore(%arg12 : memref<!tpu.dma_semaphore, #tpu.memory_space<semaphore_mem>>)
      %mul3A_505 = arith.constant 4 : i32
      %mul3A_506 = arith.muli %scan3A_389, %mul3A_505 : i32
      %add3A_507 = arith.constant 3 : i32
      %add3A_508 = arith.addi %add3A_507, %mul3A_506 : i32
      %add3A_509 = arith.constant 2 : i32
      %add3A_510 = arith.addi %add3A_508, %add3A_509 : i32
      %sub3A_511 = arith.constant 3 : i32
      %sub3A_512 = arith.subi %add3A_510, %sub3A_511 : i32
      %add3A_513 = arith.addi %mul3A_2, %sub3A_512 : i32
      %mul3A_514 = arith.constant 8 : i32
      %mul3A_515 = arith.muli %add3A_513, %mul3A_514 : i32
      %min3A_516 = arith.constant 5726 : i32
      %min3A_517 = arith.minsi %mul3A_515, %min3A_516 : i32
      %dma_wait3A_518 = arith.constant 0 : i32
      %dma_wait3A_519 = arith.constant 0 : i32
      %dma_wait3A_520 = tpu.memref_slice %arg3[%min3A_517, %dma_wait3A_518, %dma_wait3A_519] : memref<5734x4x1024xf32, #tpu.memory_space<hbm>> -> memref<8x4x1024xf32, #tpu.memory_space<hbm>>
      %dma_wait3A_521 = arith.constant 0 : i32
      %dma_wait3A_522 = arith.constant 0 : i32
      %dma_wait3A_523 = arith.constant 0 : i32
      %dma_wait3A_524 = tpu.memref_slice %arg5[%arg1, %scan3A_133, %dma_wait3A_521, %dma_wait3A_522, %dma_wait3A_523] : memref<16x2x8x4x1024xf32, #tpu.memory_space<vmem_shared>> -> memref<1x1x8x4x1024xf32, #tpu.memory_space<vmem_shared>>
      %dma_wait3A_525 = tpu.memref_squeeze %dma_wait3A_524 : memref<1x1x8x4x1024xf32, #tpu.memory_space<vmem_shared>> -> memref<8x4x1024xf32, #tpu.memory_space<vmem_shared>>
      tpu.wait_dma2 semaphore(%arg14 : memref<!tpu.dma_semaphore, #tpu.memory_space<semaphore_mem>>) src(%dma_wait3A_525 : memref<8x4x1024xf32, #tpu.memory_space<vmem_shared>>) dst(%dma_wait3A_520 : memref<8x4x1024xf32, #tpu.memory_space<hbm>>)
      %add3A_526 = arith.constant 1 : i32
      %add3A_527 = arith.addi %add3A_510, %add3A_526 : i32
      %min3A_528 = arith.constant 22 : i32
      %min3A_529 = arith.minsi %add3A_527, %min3A_528 : i32
      %add3A_530 = arith.addi %mul3A_2, %min3A_529 : i32
      %mul3A_531 = arith.constant 8 : i32
      %mul3A_532 = arith.muli %add3A_530, %mul3A_531 : i32
      %min3A_533 = arith.constant 5726 : i32
      %min3A_534 = arith.minsi %mul3A_532, %min3A_533 : i32
      %dma_start3A_535 = arith.constant 0 : i32
      %dma_start3A_536 = arith.constant 0 : i32
      %dma_start3A_537 = arith.constant 0 : i32
      %dma_start3A_538 = tpu.memref_slice %arg5[%arg1, %scan3A_133, %dma_start3A_535, %dma_start3A_536, %dma_start3A_537] : memref<16x2x8x4x1024xf32, #tpu.memory_space<vmem_shared>> -> memref<1x1x8x4x1024xf32, #tpu.memory_space<vmem_shared>>
      %dma_start3A_539 = tpu.memref_squeeze %dma_start3A_538 : memref<1x1x8x4x1024xf32, #tpu.memory_space<vmem_shared>> -> memref<8x4x1024xf32, #tpu.memory_space<vmem_shared>>
      %dma_start3A_540 = arith.constant 0 : i32
      %dma_start3A_541 = arith.constant 0 : i32
      %dma_start3A_542 = tpu.memref_slice %arg2[%min3A_534, %dma_start3A_540, %dma_start3A_541] : memref<8192x4x1024xf32, #tpu.memory_space<hbm>> -> memref<8x4x1024xf32, #tpu.memory_space<hbm>>
      tpu.enqueue_dma source(%dma_start3A_542 : memref<8x4x1024xf32, #tpu.memory_space<hbm>>) target(%dma_start3A_539 : memref<8x4x1024xf32, #tpu.memory_space<vmem_shared>>) target_semaphore(%arg10 : memref<!tpu.dma_semaphore, #tpu.memory_space<semaphore_mem>>)
      %add3A_543 = arith.addi %mul3A_2, %add3A_510 : i32
      %mul3A_544 = arith.constant 8 : i32
      %mul3A_545 = arith.muli %add3A_543, %mul3A_544 : i32
      %min3A_546 = arith.constant 5726 : i32
      %min3A_547 = arith.minsi %mul3A_545, %min3A_546 : i32
      %dma_wait3A_548 = arith.constant 0 : i32
      %dma_wait3A_549 = arith.constant 0 : i32
      %dma_wait3A_550 = tpu.memref_slice %arg2[%min3A_547, %dma_wait3A_548, %dma_wait3A_549] : memref<8192x4x1024xf32, #tpu.memory_space<hbm>> -> memref<8x4x1024xf32, #tpu.memory_space<hbm>>
      %dma_wait3A_551 = arith.constant 0 : i32
      %dma_wait3A_552 = arith.constant 0 : i32
      %dma_wait3A_553 = tpu.memref_slice %arg2[%min3A_547, %dma_wait3A_551, %dma_wait3A_552] : memref<8192x4x1024xf32, #tpu.memory_space<hbm>> -> memref<8x4x1024xf32, #tpu.memory_space<hbm>>
      tpu.wait_dma2 semaphore(%arg9 : memref<!tpu.dma_semaphore, #tpu.memory_space<semaphore_mem>>) src(%dma_wait3A_553 : memref<8x4x1024xf32, #tpu.memory_space<hbm>>) dst(%arg7 : memref<8x4x1024xf32, #tpu.memory_space<vmem>>)
      %add3A_554 = arith.addi %mul3A_2, %add3A_510 : i32
      %mul3A_555 = arith.constant 8 : i32
      %mul3A_556 = arith.muli %add3A_554, %mul3A_555 : i32
      %min3A_557 = arith.constant 5726 : i32
      %min3A_558 = arith.minsi %mul3A_556, %min3A_557 : i32
      %dma_start3A_559 = arith.constant 0 : i32
      %dma_start3A_560 = arith.constant 0 : i32
      %dma_start3A_561 = tpu.memref_slice %arg3[%min3A_558, %dma_start3A_559, %dma_start3A_560] : memref<5734x4x1024xf32, #tpu.memory_space<hbm>> -> memref<8x4x1024xf32, #tpu.memory_space<hbm>>
      %dma_start3A_562 = arith.constant 0 : i32
      %dma_start3A_563 = arith.constant 0 : i32
      %dma_start3A_564 = tpu.memref_slice %arg3[%min3A_558, %dma_start3A_562, %dma_start3A_563] : memref<5734x4x1024xf32, #tpu.memory_space<hbm>> -> memref<8x4x1024xf32, #tpu.memory_space<hbm>>
      tpu.enqueue_dma source(%arg7 : memref<8x4x1024xf32, #tpu.memory_space<vmem>>) target(%dma_start3A_564 : memref<8x4x1024xf32, #tpu.memory_space<hbm>>) target_semaphore(%arg13 : memref<!tpu.dma_semaphore, #tpu.memory_space<semaphore_mem>>)
      %mul3A_565 = arith.constant 4 : i32
      %mul3A_566 = arith.muli %scan3A_389, %mul3A_565 : i32
      %add3A_567 = arith.constant 3 : i32
      %add3A_568 = arith.addi %add3A_567, %mul3A_566 : i32
      %add3A_569 = arith.constant 3 : i32
      %add3A_570 = arith.addi %add3A_568, %add3A_569 : i32
      %sub3A_571 = arith.constant 3 : i32
      %sub3A_572 = arith.subi %add3A_570, %sub3A_571 : i32
      %add3A_573 = arith.addi %mul3A_2, %sub3A_572 : i32
      %mul3A_574 = arith.constant 8 : i32
      %mul3A_575 = arith.muli %add3A_573, %mul3A_574 : i32
      %min3A_576 = arith.constant 5726 : i32
      %min3A_577 = arith.minsi %mul3A_575, %min3A_576 : i32
      %dma_wait3A_578 = arith.constant 0 : i32
      %dma_wait3A_579 = arith.constant 0 : i32
      %dma_wait3A_580 = tpu.memref_slice %arg3[%min3A_577, %dma_wait3A_578, %dma_wait3A_579] : memref<5734x4x1024xf32, #tpu.memory_space<hbm>> -> memref<8x4x1024xf32, #tpu.memory_space<hbm>>
      %dma_wait3A_581 = arith.constant 0 : i32
      %dma_wait3A_582 = arith.constant 0 : i32
      %dma_wait3A_583 = arith.constant 0 : i32
      %dma_wait3A_584 = tpu.memref_slice %arg5[%arg1, %scan3A_132, %dma_wait3A_581, %dma_wait3A_582, %dma_wait3A_583] : memref<16x2x8x4x1024xf32, #tpu.memory_space<vmem_shared>> -> memref<1x1x8x4x1024xf32, #tpu.memory_space<vmem_shared>>
      %dma_wait3A_585 = tpu.memref_squeeze %dma_wait3A_584 : memref<1x1x8x4x1024xf32, #tpu.memory_space<vmem_shared>> -> memref<8x4x1024xf32, #tpu.memory_space<vmem_shared>>
      tpu.wait_dma2 semaphore(%arg15 : memref<!tpu.dma_semaphore, #tpu.memory_space<semaphore_mem>>) src(%dma_wait3A_585 : memref<8x4x1024xf32, #tpu.memory_space<vmem_shared>>) dst(%dma_wait3A_580 : memref<8x4x1024xf32, #tpu.memory_space<hbm>>)
      %add3A_586 = arith.constant 1 : i32
      %add3A_587 = arith.addi %add3A_570, %add3A_586 : i32
      %min3A_588 = arith.constant 22 : i32
      %min3A_589 = arith.minsi %add3A_587, %min3A_588 : i32
      %add3A_590 = arith.addi %mul3A_2, %min3A_589 : i32
      %mul3A_591 = arith.constant 8 : i32
      %mul3A_592 = arith.muli %add3A_590, %mul3A_591 : i32
      %min3A_593 = arith.constant 5726 : i32
      %min3A_594 = arith.minsi %mul3A_592, %min3A_593 : i32
      %dma_start3A_595 = arith.constant 0 : i32
      %dma_start3A_596 = arith.constant 0 : i32
      %dma_start3A_597 = arith.constant 0 : i32
      %dma_start3A_598 = tpu.memref_slice %arg5[%arg1, %scan3A_132, %dma_start3A_595, %dma_start3A_596, %dma_start3A_597] : memref<16x2x8x4x1024xf32, #tpu.memory_space<vmem_shared>> -> memref<1x1x8x4x1024xf32, #tpu.memory_space<vmem_shared>>
      %dma_start3A_599 = tpu.memref_squeeze %dma_start3A_598 : memref<1x1x8x4x1024xf32, #tpu.memory_space<vmem_shared>> -> memref<8x4x1024xf32, #tpu.memory_space<vmem_shared>>
      %dma_start3A_600 = arith.constant 0 : i32
      %dma_start3A_601 = arith.constant 0 : i32
      %dma_start3A_602 = tpu.memref_slice %arg2[%min3A_594, %dma_start3A_600, %dma_start3A_601] : memref<8192x4x1024xf32, #tpu.memory_space<hbm>> -> memref<8x4x1024xf32, #tpu.memory_space<hbm>>
      tpu.enqueue_dma source(%dma_start3A_602 : memref<8x4x1024xf32, #tpu.memory_space<hbm>>) target(%dma_start3A_599 : memref<8x4x1024xf32, #tpu.memory_space<vmem_shared>>) target_semaphore(%arg11 : memref<!tpu.dma_semaphore, #tpu.memory_space<semaphore_mem>>)
      %add3A_603 = arith.addi %mul3A_2, %add3A_570 : i32
      %mul3A_604 = arith.constant 8 : i32
      %mul3A_605 = arith.muli %add3A_603, %mul3A_604 : i32
      %min3A_606 = arith.constant 5726 : i32
      %min3A_607 = arith.minsi %mul3A_605, %min3A_606 : i32
      %dma_wait3A_608 = arith.constant 0 : i32
      %dma_wait3A_609 = arith.constant 0 : i32
      %dma_wait3A_610 = arith.constant 0 : i32
      %dma_wait3A_611 = tpu.memref_slice %arg5[%arg1, %scan3A_133, %dma_wait3A_608, %dma_wait3A_609, %dma_wait3A_610] : memref<16x2x8x4x1024xf32, #tpu.memory_space<vmem_shared>> -> memref<1x1x8x4x1024xf32, #tpu.memory_space<vmem_shared>>
      %dma_wait3A_612 = tpu.memref_squeeze %dma_wait3A_611 : memref<1x1x8x4x1024xf32, #tpu.memory_space<vmem_shared>> -> memref<8x4x1024xf32, #tpu.memory_space<vmem_shared>>
      %dma_wait3A_613 = arith.constant 0 : i32
      %dma_wait3A_614 = arith.constant 0 : i32
      %dma_wait3A_615 = tpu.memref_slice %arg2[%min3A_607, %dma_wait3A_613, %dma_wait3A_614] : memref<8192x4x1024xf32, #tpu.memory_space<hbm>> -> memref<8x4x1024xf32, #tpu.memory_space<hbm>>
      tpu.wait_dma2 semaphore(%arg10 : memref<!tpu.dma_semaphore, #tpu.memory_space<semaphore_mem>>) src(%dma_wait3A_615 : memref<8x4x1024xf32, #tpu.memory_space<hbm>>) dst(%dma_wait3A_612 : memref<8x4x1024xf32, #tpu.memory_space<vmem_shared>>)
      %add3A_616 = arith.addi %mul3A_2, %add3A_570 : i32
      %mul3A_617 = arith.constant 8 : i32
      %mul3A_618 = arith.muli %add3A_616, %mul3A_617 : i32
      %min3A_619 = arith.constant 5726 : i32
      %min3A_620 = arith.minsi %mul3A_618, %min3A_619 : i32
      %dma_start3A_621 = arith.constant 0 : i32
      %dma_start3A_622 = arith.constant 0 : i32
      %dma_start3A_623 = tpu.memref_slice %arg3[%min3A_620, %dma_start3A_621, %dma_start3A_622] : memref<5734x4x1024xf32, #tpu.memory_space<hbm>> -> memref<8x4x1024xf32, #tpu.memory_space<hbm>>
      %dma_start3A_624 = arith.constant 0 : i32
      %dma_start3A_625 = arith.constant 0 : i32
      %dma_start3A_626 = arith.constant 0 : i32
      %dma_start3A_627 = tpu.memref_slice %arg5[%arg1, %scan3A_133, %dma_start3A_624, %dma_start3A_625, %dma_start3A_626] : memref<16x2x8x4x1024xf32, #tpu.memory_space<vmem_shared>> -> memref<1x1x8x4x1024xf32, #tpu.memory_space<vmem_shared>>
      %dma_start3A_628 = tpu.memref_squeeze %dma_start3A_627 : memref<1x1x8x4x1024xf32, #tpu.memory_space<vmem_shared>> -> memref<8x4x1024xf32, #tpu.memory_space<vmem_shared>>
      tpu.enqueue_dma source(%dma_start3A_628 : memref<8x4x1024xf32, #tpu.memory_space<vmem_shared>>) target(%dma_start3A_623 : memref<8x4x1024xf32, #tpu.memory_space<hbm>>) target_semaphore(%arg14 : memref<!tpu.dma_semaphore, #tpu.memory_space<semaphore_mem>>)
    }
    %scan3A_138 = arith.constant 5 : i32
    %add3A_139 = arith.constant 20 : i32
    %add3A_140 = arith.addi %mul3A_2, %add3A_139 : i32
    %mul3A_141 = arith.constant 8 : i32
    %mul3A_142 = arith.muli %add3A_140, %mul3A_141 : i32
    %min3A_143 = arith.constant 5726 : i32
    %min3A_144 = arith.minsi %mul3A_142, %min3A_143 : i32
    %dma_wait3A_145 = arith.constant 0 : i32
    %dma_wait3A_146 = arith.constant 0 : i32
    %dma_wait3A_147 = tpu.memref_slice %arg3[%min3A_144, %dma_wait3A_145, %dma_wait3A_146] : memref<5734x4x1024xf32, #tpu.memory_space<hbm>> -> memref<8x4x1024xf32, #tpu.memory_space<hbm>>
    %dma_wait3A_148 = arith.constant 0 : i32
    %dma_wait3A_149 = arith.constant 0 : i32
    %dma_wait3A_150 = tpu.memref_slice %arg3[%min3A_144, %dma_wait3A_148, %dma_wait3A_149] : memref<5734x4x1024xf32, #tpu.memory_space<hbm>> -> memref<8x4x1024xf32, #tpu.memory_space<hbm>>
    tpu.wait_dma2 semaphore(%arg12 : memref<!tpu.dma_semaphore, #tpu.memory_space<semaphore_mem>>) src(%arg6 : memref<8x4x1024xf32, #tpu.memory_space<vmem>>) dst(%dma_wait3A_150 : memref<8x4x1024xf32, #tpu.memory_space<hbm>>)
    %add3A_151 = arith.constant 21 : i32
    %add3A_152 = arith.addi %mul3A_2, %add3A_151 : i32
    %mul3A_153 = arith.constant 8 : i32
    %mul3A_154 = arith.muli %add3A_152, %mul3A_153 : i32
    %min3A_155 = arith.constant 5726 : i32
    %min3A_156 = arith.minsi %mul3A_154, %min3A_155 : i32
    %dma_wait3A_157 = arith.constant 0 : i32
    %dma_wait3A_158 = arith.constant 0 : i32
    %dma_wait3A_159 = tpu.memref_slice %arg3[%min3A_156, %dma_wait3A_157, %dma_wait3A_158] : memref<5734x4x1024xf32, #tpu.memory_space<hbm>> -> memref<8x4x1024xf32, #tpu.memory_space<hbm>>
    %dma_wait3A_160 = arith.constant 0 : i32
    %dma_wait3A_161 = arith.constant 0 : i32
    %dma_wait3A_162 = tpu.memref_slice %arg3[%min3A_156, %dma_wait3A_160, %dma_wait3A_161] : memref<5734x4x1024xf32, #tpu.memory_space<hbm>> -> memref<8x4x1024xf32, #tpu.memory_space<hbm>>
    tpu.wait_dma2 semaphore(%arg13 : memref<!tpu.dma_semaphore, #tpu.memory_space<semaphore_mem>>) src(%arg7 : memref<8x4x1024xf32, #tpu.memory_space<vmem>>) dst(%dma_wait3A_162 : memref<8x4x1024xf32, #tpu.memory_space<hbm>>)
    %add3A_163 = arith.constant 22 : i32
    %add3A_164 = arith.addi %mul3A_2, %add3A_163 : i32
    %mul3A_165 = arith.constant 8 : i32
    %mul3A_166 = arith.muli %add3A_164, %mul3A_165 : i32
    %min3A_167 = arith.constant 5726 : i32
    %min3A_168 = arith.minsi %mul3A_166, %min3A_167 : i32
    %dma_wait3A_169 = arith.constant 0 : i32
    %dma_wait3A_170 = arith.constant 0 : i32
    %dma_wait3A_171 = arith.constant 0 : i32
    %dma_wait3A_172 = tpu.memref_slice %arg3[%min3A_168, %dma_wait3A_170, %dma_wait3A_171] : memref<5734x4x1024xf32, #tpu.memory_space<hbm>> -> memref<8x4x1024xf32, #tpu.memory_space<hbm>>
    %dma_wait3A_173 = arith.constant 0 : i32
    %dma_wait3A_174 = arith.constant 0 : i32
    %dma_wait3A_175 = arith.constant 0 : i32
    %dma_wait3A_176 = tpu.memref_slice %arg5[%arg1, %dma_wait3A_169, %dma_wait3A_173, %dma_wait3A_174, %dma_wait3A_175] : memref<16x2x8x4x1024xf32, #tpu.memory_space<vmem_shared>> -> memref<1x1x8x4x1024xf32, #tpu.memory_space<vmem_shared>>
    %dma_wait3A_177 = tpu.memref_squeeze %dma_wait3A_176 : memref<1x1x8x4x1024xf32, #tpu.memory_space<vmem_shared>> -> memref<8x4x1024xf32, #tpu.memory_space<vmem_shared>>
    tpu.wait_dma2 semaphore(%arg14 : memref<!tpu.dma_semaphore, #tpu.memory_space<semaphore_mem>>) src(%dma_wait3A_177 : memref<8x4x1024xf32, #tpu.memory_space<vmem_shared>>) dst(%dma_wait3A_172 : memref<8x4x1024xf32, #tpu.memory_space<hbm>>)
    %add3A_178 = arith.constant 22 : i32
    %add3A_179 = arith.addi %mul3A_2, %add3A_178 : i32
    %mul3A_180 = arith.constant 8 : i32
    %mul3A_181 = arith.muli %add3A_179, %mul3A_180 : i32
    %min3A_182 = arith.constant 5726 : i32
    %min3A_183 = arith.minsi %mul3A_181, %min3A_182 : i32
    %dma_wait3A_184 = arith.constant 1 : i32
    %dma_wait3A_185 = arith.constant 0 : i32
    %dma_wait3A_186 = arith.constant 0 : i32
    %dma_wait3A_187 = arith.constant 0 : i32
    %dma_wait3A_188 = tpu.memref_slice %arg5[%arg1, %dma_wait3A_184, %dma_wait3A_185, %dma_wait3A_186, %dma_wait3A_187] : memref<16x2x8x4x1024xf32, #tpu.memory_space<vmem_shared>> -> memref<1x1x8x4x1024xf32, #tpu.memory_space<vmem_shared>>
    %dma_wait3A_189 = tpu.memref_squeeze %dma_wait3A_188 : memref<1x1x8x4x1024xf32, #tpu.memory_space<vmem_shared>> -> memref<8x4x1024xf32, #tpu.memory_space<vmem_shared>>
    %dma_wait3A_190 = arith.constant 0 : i32
    %dma_wait3A_191 = arith.constant 0 : i32
    %dma_wait3A_192 = tpu.memref_slice %arg2[%min3A_183, %dma_wait3A_190, %dma_wait3A_191] : memref<8192x4x1024xf32, #tpu.memory_space<hbm>> -> memref<8x4x1024xf32, #tpu.memory_space<hbm>>
    tpu.wait_dma2 semaphore(%arg11 : memref<!tpu.dma_semaphore, #tpu.memory_space<semaphore_mem>>) src(%dma_wait3A_192 : memref<8x4x1024xf32, #tpu.memory_space<hbm>>) dst(%dma_wait3A_189 : memref<8x4x1024xf32, #tpu.memory_space<vmem_shared>>)
    %mul3A_193 = arith.constant 11 : i32
    %mul3A_194 = arith.muli %add3A, %mul3A_193 : i32
    %add3A_195 = arith.constant 0 : i32
    %add3A_196 = arith.addi %mul3A_194, %add3A_195 : i32
    %mul3A_197 = arith.constant 8 : i32
    %mul3A_198 = arith.muli %add3A_196, %mul3A_197 : i32
    %min3A_199 = arith.constant 2450 : i32
    %min3A_200 = arith.minsi %mul3A_198, %min3A_199 : i32
    %dma_start3A_201 = arith.constant 0 : i32
    %dma_start3A_202 = arith.constant 0 : i32
    %dma_start3A_203 = tpu.memref_slice %arg2[%min3A_200, %dma_start3A_201, %dma_start3A_202] : memref<8192x4x1024xf32, #tpu.memory_space<hbm>> -> memref<8x4x1024xf32, #tpu.memory_space<hbm>>
    %dma_start3A_204 = arith.constant 0 : i32
    %dma_start3A_205 = arith.constant 0 : i32
    %dma_start3A_206 = tpu.memref_slice %arg2[%min3A_200, %dma_start3A_204, %dma_start3A_205] : memref<8192x4x1024xf32, #tpu.memory_space<hbm>> -> memref<8x4x1024xf32, #tpu.memory_space<hbm>>
    tpu.enqueue_dma source(%dma_start3A_206 : memref<8x4x1024xf32, #tpu.memory_space<hbm>>) target(%arg6 : memref<8x4x1024xf32, #tpu.memory_space<vmem>>) target_semaphore(%arg8 : memref<!tpu.dma_semaphore, #tpu.memory_space<semaphore_mem>>)
    %add3A_207 = arith.constant 1 : i32
    %add3A_208 = arith.addi %mul3A_194, %add3A_207 : i32
    %mul3A_209 = arith.constant 8 : i32
    %mul3A_210 = arith.muli %add3A_208, %mul3A_209 : i32
    %min3A_211 = arith.constant 2450 : i32
    %min3A_212 = arith.minsi %mul3A_210, %min3A_211 : i32
    %dma_start3A_213 = arith.constant 0 : i32
    %dma_start3A_214 = arith.constant 0 : i32
    %dma_start3A_215 = tpu.memref_slice %arg2[%min3A_212, %dma_start3A_213, %dma_start3A_214] : memref<8192x4x1024xf32, #tpu.memory_space<hbm>> -> memref<8x4x1024xf32, #tpu.memory_space<hbm>>
    %dma_start3A_216 = arith.constant 0 : i32
    %dma_start3A_217 = arith.constant 0 : i32
    %dma_start3A_218 = tpu.memref_slice %arg2[%min3A_212, %dma_start3A_216, %dma_start3A_217] : memref<8192x4x1024xf32, #tpu.memory_space<hbm>> -> memref<8x4x1024xf32, #tpu.memory_space<hbm>>
    tpu.enqueue_dma source(%dma_start3A_218 : memref<8x4x1024xf32, #tpu.memory_space<hbm>>) target(%arg7 : memref<8x4x1024xf32, #tpu.memory_space<vmem>>) target_semaphore(%arg9 : memref<!tpu.dma_semaphore, #tpu.memory_space<semaphore_mem>>)
    %add3A_219 = arith.constant 2 : i32
    %add3A_220 = arith.addi %mul3A_194, %add3A_219 : i32
    %mul3A_221 = arith.constant 8 : i32
    %mul3A_222 = arith.muli %add3A_220, %mul3A_221 : i32
    %min3A_223 = arith.constant 2450 : i32
    %min3A_224 = arith.minsi %mul3A_222, %min3A_223 : i32
    %dma_start3A_225 = arith.constant 0 : i32
    %dma_start3A_226 = arith.constant 0 : i32
    %dma_start3A_227 = arith.constant 0 : i32
    %dma_start3A_228 = arith.constant 0 : i32
    %dma_start3A_229 = tpu.memref_slice %arg5[%arg1, %dma_start3A_225, %dma_start3A_226, %dma_start3A_227, %dma_start3A_228] : memref<16x2x8x4x1024xf32, #tpu.memory_space<vmem_shared>> -> memref<1x1x8x4x1024xf32, #tpu.memory_space<vmem_shared>>
    %dma_start3A_230 = tpu.memref_squeeze %dma_start3A_229 : memref<1x1x8x4x1024xf32, #tpu.memory_space<vmem_shared>> -> memref<8x4x1024xf32, #tpu.memory_space<vmem_shared>>
    %dma_start3A_231 = arith.constant 0 : i32
    %dma_start3A_232 = arith.constant 0 : i32
    %dma_start3A_233 = tpu.memref_slice %arg2[%min3A_224, %dma_start3A_231, %dma_start3A_232] : memref<8192x4x1024xf32, #tpu.memory_space<hbm>> -> memref<8x4x1024xf32, #tpu.memory_space<hbm>>
    tpu.enqueue_dma source(%dma_start3A_233 : memref<8x4x1024xf32, #tpu.memory_space<hbm>>) target(%dma_start3A_230 : memref<8x4x1024xf32, #tpu.memory_space<vmem_shared>>) target_semaphore(%arg10 : memref<!tpu.dma_semaphore, #tpu.memory_space<semaphore_mem>>)
    %add3A_234 = arith.constant 3 : i32
    %add3A_235 = arith.addi %mul3A_194, %add3A_234 : i32
    %mul3A_236 = arith.constant 8 : i32
    %mul3A_237 = arith.muli %add3A_235, %mul3A_236 : i32
    %min3A_238 = arith.constant 2450 : i32
    %min3A_239 = arith.minsi %mul3A_237, %min3A_238 : i32
    %dma_start3A_240 = arith.constant 1 : i32
    %dma_start3A_241 = arith.constant 0 : i32
    %dma_start3A_242 = arith.constant 0 : i32
    %dma_start3A_243 = arith.constant 0 : i32
    %dma_start3A_244 = tpu.memref_slice %arg5[%arg1, %dma_start3A_240, %dma_start3A_241, %dma_start3A_242, %dma_start3A_243] : memref<16x2x8x4x1024xf32, #tpu.memory_space<vmem_shared>> -> memref<1x1x8x4x1024xf32, #tpu.memory_space<vmem_shared>>
    %dma_start3A_245 = tpu.memref_squeeze %dma_start3A_244 : memref<1x1x8x4x1024xf32, #tpu.memory_space<vmem_shared>> -> memref<8x4x1024xf32, #tpu.memory_space<vmem_shared>>
    %dma_start3A_246 = arith.constant 0 : i32
    %dma_start3A_247 = arith.constant 0 : i32
    %dma_start3A_248 = tpu.memref_slice %arg2[%min3A_239, %dma_start3A_246, %dma_start3A_247] : memref<8192x4x1024xf32, #tpu.memory_space<hbm>> -> memref<8x4x1024xf32, #tpu.memory_space<hbm>>
    tpu.enqueue_dma source(%dma_start3A_248 : memref<8x4x1024xf32, #tpu.memory_space<hbm>>) target(%dma_start3A_245 : memref<8x4x1024xf32, #tpu.memory_space<vmem_shared>>) target_semaphore(%arg11 : memref<!tpu.dma_semaphore, #tpu.memory_space<semaphore_mem>>)
    %add3A_249 = arith.constant 0 : i32
    %add3A_250 = arith.addi %mul3A_194, %add3A_249 : i32
    %mul3A_251 = arith.constant 8 : i32
    %mul3A_252 = arith.muli %add3A_250, %mul3A_251 : i32
    %min3A_253 = arith.constant 2450 : i32
    %min3A_254 = arith.minsi %mul3A_252, %min3A_253 : i32
    %dma_wait3A_255 = arith.constant 0 : i32
    %dma_wait3A_256 = arith.constant 0 : i32
    %dma_wait3A_257 = tpu.memref_slice %arg2[%min3A_254, %dma_wait3A_255, %dma_wait3A_256] : memref<8192x4x1024xf32, #tpu.memory_space<hbm>> -> memref<8x4x1024xf32, #tpu.memory_space<hbm>>
    %dma_wait3A_258 = arith.constant 0 : i32
    %dma_wait3A_259 = arith.constant 0 : i32
    %dma_wait3A_260 = tpu.memref_slice %arg2[%min3A_254, %dma_wait3A_258, %dma_wait3A_259] : memref<8192x4x1024xf32, #tpu.memory_space<hbm>> -> memref<8x4x1024xf32, #tpu.memory_space<hbm>>
    tpu.wait_dma2 semaphore(%arg8 : memref<!tpu.dma_semaphore, #tpu.memory_space<semaphore_mem>>) src(%dma_wait3A_260 : memref<8x4x1024xf32, #tpu.memory_space<hbm>>) dst(%arg6 : memref<8x4x1024xf32, #tpu.memory_space<vmem>>)
    %add3A_261 = arith.constant 0 : i32
    %add3A_262 = arith.addi %mul3A_194, %add3A_261 : i32
    %mul3A_263 = arith.constant 8 : i32
    %mul3A_264 = arith.muli %add3A_262, %mul3A_263 : i32
    %min3A_265 = arith.constant 2450 : i32
    %min3A_266 = arith.minsi %mul3A_264, %min3A_265 : i32
    %dma_start3A_267 = arith.constant 0 : i32
    %dma_start3A_268 = arith.constant 0 : i32
    %dma_start3A_269 = tpu.memref_slice %arg4[%min3A_266, %dma_start3A_267, %dma_start3A_268] : memref<2458x4x1024xf32, #tpu.memory_space<hbm>> -> memref<8x4x1024xf32, #tpu.memory_space<hbm>>
    %dma_start3A_270 = arith.constant 0 : i32
    %dma_start3A_271 = arith.constant 0 : i32
    %dma_start3A_272 = tpu.memref_slice %arg4[%min3A_266, %dma_start3A_270, %dma_start3A_271] : memref<2458x4x1024xf32, #tpu.memory_space<hbm>> -> memref<8x4x1024xf32, #tpu.memory_space<hbm>>
    tpu.enqueue_dma source(%arg6 : memref<8x4x1024xf32, #tpu.memory_space<vmem>>) target(%dma_start3A_272 : memref<8x4x1024xf32, #tpu.memory_space<hbm>>) target_semaphore(%arg12 : memref<!tpu.dma_semaphore, #tpu.memory_space<semaphore_mem>>)
    %add3A_273 = arith.constant 1 : i32
    %add3A_274 = arith.addi %mul3A_194, %add3A_273 : i32
    %mul3A_275 = arith.constant 8 : i32
    %mul3A_276 = arith.muli %add3A_274, %mul3A_275 : i32
    %min3A_277 = arith.constant 2450 : i32
    %min3A_278 = arith.minsi %mul3A_276, %min3A_277 : i32
    %dma_wait3A_279 = arith.constant 0 : i32
    %dma_wait3A_280 = arith.constant 0 : i32
    %dma_wait3A_281 = tpu.memref_slice %arg2[%min3A_278, %dma_wait3A_279, %dma_wait3A_280] : memref<8192x4x1024xf32, #tpu.memory_space<hbm>> -> memref<8x4x1024xf32, #tpu.memory_space<hbm>>
    %dma_wait3A_282 = arith.constant 0 : i32
    %dma_wait3A_283 = arith.constant 0 : i32
    %dma_wait3A_284 = tpu.memref_slice %arg2[%min3A_278, %dma_wait3A_282, %dma_wait3A_283] : memref<8192x4x1024xf32, #tpu.memory_space<hbm>> -> memref<8x4x1024xf32, #tpu.memory_space<hbm>>
    tpu.wait_dma2 semaphore(%arg9 : memref<!tpu.dma_semaphore, #tpu.memory_space<semaphore_mem>>) src(%dma_wait3A_284 : memref<8x4x1024xf32, #tpu.memory_space<hbm>>) dst(%arg7 : memref<8x4x1024xf32, #tpu.memory_space<vmem>>)
    %add3A_285 = arith.constant 1 : i32
    %add3A_286 = arith.addi %mul3A_194, %add3A_285 : i32
    %mul3A_287 = arith.constant 8 : i32
    %mul3A_288 = arith.muli %add3A_286, %mul3A_287 : i32
    %min3A_289 = arith.constant 2450 : i32
    %min3A_290 = arith.minsi %mul3A_288, %min3A_289 : i32
    %dma_start3A_291 = arith.constant 0 : i32
    %dma_start3A_292 = arith.constant 0 : i32
    %dma_start3A_293 = tpu.memref_slice %arg4[%min3A_290, %dma_start3A_291, %dma_start3A_292] : memref<2458x4x1024xf32, #tpu.memory_space<hbm>> -> memref<8x4x1024xf32, #tpu.memory_space<hbm>>
    %dma_start3A_294 = arith.constant 0 : i32
    %dma_start3A_295 = arith.constant 0 : i32
    %dma_start3A_296 = tpu.memref_slice %arg4[%min3A_290, %dma_start3A_294, %dma_start3A_295] : memref<2458x4x1024xf32, #tpu.memory_space<hbm>> -> memref<8x4x1024xf32, #tpu.memory_space<hbm>>
    tpu.enqueue_dma source(%arg7 : memref<8x4x1024xf32, #tpu.memory_space<vmem>>) target(%dma_start3A_296 : memref<8x4x1024xf32, #tpu.memory_space<hbm>>) target_semaphore(%arg13 : memref<!tpu.dma_semaphore, #tpu.memory_space<semaphore_mem>>)
    %add3A_297 = arith.constant 2 : i32
    %add3A_298 = arith.addi %mul3A_194, %add3A_297 : i32
    %mul3A_299 = arith.constant 8 : i32
    %mul3A_300 = arith.muli %add3A_298, %mul3A_299 : i32
    %min3A_301 = arith.constant 2450 : i32
    %min3A_302 = arith.minsi %mul3A_300, %min3A_301 : i32
    %dma_wait3A_303 = arith.constant 0 : i32
    %dma_wait3A_304 = arith.constant 0 : i32
    %dma_wait3A_305 = arith.constant 0 : i32
    %dma_wait3A_306 = arith.constant 0 : i32
    %dma_wait3A_307 = tpu.memref_slice %arg5[%arg1, %dma_wait3A_303, %dma_wait3A_304, %dma_wait3A_305, %dma_wait3A_306] : memref<16x2x8x4x1024xf32, #tpu.memory_space<vmem_shared>> -> memref<1x1x8x4x1024xf32, #tpu.memory_space<vmem_shared>>
    %dma_wait3A_308 = tpu.memref_squeeze %dma_wait3A_307 : memref<1x1x8x4x1024xf32, #tpu.memory_space<vmem_shared>> -> memref<8x4x1024xf32, #tpu.memory_space<vmem_shared>>
    %dma_wait3A_309 = arith.constant 0 : i32
    %dma_wait3A_310 = arith.constant 0 : i32
    %dma_wait3A_311 = tpu.memref_slice %arg2[%min3A_302, %dma_wait3A_309, %dma_wait3A_310] : memref<8192x4x1024xf32, #tpu.memory_space<hbm>> -> memref<8x4x1024xf32, #tpu.memory_space<hbm>>
    tpu.wait_dma2 semaphore(%arg10 : memref<!tpu.dma_semaphore, #tpu.memory_space<semaphore_mem>>) src(%dma_wait3A_311 : memref<8x4x1024xf32, #tpu.memory_space<hbm>>) dst(%dma_wait3A_308 : memref<8x4x1024xf32, #tpu.memory_space<vmem_shared>>)
    %add3A_312 = arith.constant 2 : i32
    %add3A_313 = arith.addi %mul3A_194, %add3A_312 : i32
    %mul3A_314 = arith.constant 8 : i32
    %mul3A_315 = arith.muli %add3A_313, %mul3A_314 : i32
    %min3A_316 = arith.constant 2450 : i32
    %min3A_317 = arith.minsi %mul3A_315, %min3A_316 : i32
    %dma_start3A_318 = arith.constant 0 : i32
    %dma_start3A_319 = arith.constant 0 : i32
    %dma_start3A_320 = arith.constant 0 : i32
    %dma_start3A_321 = tpu.memref_slice %arg4[%min3A_317, %dma_start3A_319, %dma_start3A_320] : memref<2458x4x1024xf32, #tpu.memory_space<hbm>> -> memref<8x4x1024xf32, #tpu.memory_space<hbm>>
    %dma_start3A_322 = arith.constant 0 : i32
    %dma_start3A_323 = arith.constant 0 : i32
    %dma_start3A_324 = arith.constant 0 : i32
    %dma_start3A_325 = tpu.memref_slice %arg5[%arg1, %dma_start3A_318, %dma_start3A_322, %dma_start3A_323, %dma_start3A_324] : memref<16x2x8x4x1024xf32, #tpu.memory_space<vmem_shared>> -> memref<1x1x8x4x1024xf32, #tpu.memory_space<vmem_shared>>
    %dma_start3A_326 = tpu.memref_squeeze %dma_start3A_325 : memref<1x1x8x4x1024xf32, #tpu.memory_space<vmem_shared>> -> memref<8x4x1024xf32, #tpu.memory_space<vmem_shared>>
    tpu.enqueue_dma source(%dma_start3A_326 : memref<8x4x1024xf32, #tpu.memory_space<vmem_shared>>) target(%dma_start3A_321 : memref<8x4x1024xf32, #tpu.memory_space<hbm>>) target_semaphore(%arg14 : memref<!tpu.dma_semaphore, #tpu.memory_space<semaphore_mem>>)
    %scan3A_327 = arith.constant 0 : i32
    %scan3A_328 = arith.constant 1 : i32
    %scan3A_329 = arith.constant 0 : i32
    %scan3A_330 = arith.constant 0 : i32
    %scan3A_331 = arith.constant 2 : i32
    %scan3A_332 = arith.addi %scan3A_330, %scan3A_331 : i32
    %scan3A_333 = arith.constant 1 : i32
    scf.for %scan3A_389 = %scan3A_330 to %scan3A_332 step %scan3A_333  : i32 {
      %mul3A_390 = arith.constant 4 : i32
      %mul3A_391 = arith.muli %scan3A_389, %mul3A_390 : i32
      %add3A_392 = arith.constant 3 : i32
      %add3A_393 = arith.addi %add3A_392, %mul3A_391 : i32
      %add3A_394 = arith.constant 0 : i32
      %add3A_395 = arith.addi %add3A_393, %add3A_394 : i32
      %sub3A = arith.constant 3 : i32
      %sub3A_396 = arith.subi %add3A_395, %sub3A : i32
      %add3A_397 = arith.addi %mul3A_194, %sub3A_396 : i32
      %mul3A_398 = arith.constant 8 : i32
      %mul3A_399 = arith.muli %add3A_397, %mul3A_398 : i32
      %min3A_400 = arith.constant 2450 : i32
      %min3A_401 = arith.minsi %mul3A_399, %min3A_400 : i32
      %dma_wait3A_402 = arith.constant 0 : i32
      %dma_wait3A_403 = arith.constant 0 : i32
      %dma_wait3A_404 = tpu.memref_slice %arg4[%min3A_401, %dma_wait3A_402, %dma_wait3A_403] : memref<2458x4x1024xf32, #tpu.memory_space<hbm>> -> memref<8x4x1024xf32, #tpu.memory_space<hbm>>
      %dma_wait3A_405 = arith.constant 0 : i32
      %dma_wait3A_406 = arith.constant 0 : i32
      %dma_wait3A_407 = tpu.memref_slice %arg4[%min3A_401, %dma_wait3A_405, %dma_wait3A_406] : memref<2458x4x1024xf32, #tpu.memory_space<hbm>> -> memref<8x4x1024xf32, #tpu.memory_space<hbm>>
      tpu.wait_dma2 semaphore(%arg12 : memref<!tpu.dma_semaphore, #tpu.memory_space<semaphore_mem>>) src(%arg6 : memref<8x4x1024xf32, #tpu.memory_space<vmem>>) dst(%dma_wait3A_407 : memref<8x4x1024xf32, #tpu.memory_space<hbm>>)
      %add3A_408 = arith.constant 1 : i32
      %add3A_409 = arith.addi %add3A_395, %add3A_408 : i32
      %min3A_410 = arith.constant 10 : i32
      %min3A_411 = arith.minsi %add3A_409, %min3A_410 : i32
      %add3A_412 = arith.addi %mul3A_194, %min3A_411 : i32
      %mul3A_413 = arith.constant 8 : i32
      %mul3A_414 = arith.muli %add3A_412, %mul3A_413 : i32
      %min3A_415 = arith.constant 2450 : i32
      %min3A_416 = arith.minsi %mul3A_414, %min3A_415 : i32
      %dma_start3A_417 = arith.constant 0 : i32
      %dma_start3A_418 = arith.constant 0 : i32
      %dma_start3A_419 = tpu.memref_slice %arg2[%min3A_416, %dma_start3A_417, %dma_start3A_418] : memref<8192x4x1024xf32, #tpu.memory_space<hbm>> -> memref<8x4x1024xf32, #tpu.memory_space<hbm>>
      %dma_start3A_420 = arith.constant 0 : i32
      %dma_start3A_421 = arith.constant 0 : i32
      %dma_start3A_422 = tpu.memref_slice %arg2[%min3A_416, %dma_start3A_420, %dma_start3A_421] : memref<8192x4x1024xf32, #tpu.memory_space<hbm>> -> memref<8x4x1024xf32, #tpu.memory_space<hbm>>
      tpu.enqueue_dma source(%dma_start3A_422 : memref<8x4x1024xf32, #tpu.memory_space<hbm>>) target(%arg6 : memref<8x4x1024xf32, #tpu.memory_space<vmem>>) target_semaphore(%arg8 : memref<!tpu.dma_semaphore, #tpu.memory_space<semaphore_mem>>)
      %add3A_423 = arith.addi %mul3A_194, %add3A_395 : i32
      %mul3A_424 = arith.constant 8 : i32
      %mul3A_425 = arith.muli %add3A_423, %mul3A_424 : i32
      %min3A_426 = arith.constant 2450 : i32
      %min3A_427 = arith.minsi %mul3A_425, %min3A_426 : i32
      %dma_wait3A_428 = arith.constant 0 : i32
      %dma_wait3A_429 = arith.constant 0 : i32
      %dma_wait3A_430 = arith.constant 0 : i32
      %dma_wait3A_431 = tpu.memref_slice %arg5[%arg1, %scan3A_328, %dma_wait3A_428, %dma_wait3A_429, %dma_wait3A_430] : memref<16x2x8x4x1024xf32, #tpu.memory_space<vmem_shared>> -> memref<1x1x8x4x1024xf32, #tpu.memory_space<vmem_shared>>
      %dma_wait3A_432 = tpu.memref_squeeze %dma_wait3A_431 : memref<1x1x8x4x1024xf32, #tpu.memory_space<vmem_shared>> -> memref<8x4x1024xf32, #tpu.memory_space<vmem_shared>>
      %dma_wait3A_433 = arith.constant 0 : i32
      %dma_wait3A_434 = arith.constant 0 : i32
      %dma_wait3A_435 = tpu.memref_slice %arg2[%min3A_427, %dma_wait3A_433, %dma_wait3A_434] : memref<8192x4x1024xf32, #tpu.memory_space<hbm>> -> memref<8x4x1024xf32, #tpu.memory_space<hbm>>
      tpu.wait_dma2 semaphore(%arg11 : memref<!tpu.dma_semaphore, #tpu.memory_space<semaphore_mem>>) src(%dma_wait3A_435 : memref<8x4x1024xf32, #tpu.memory_space<hbm>>) dst(%dma_wait3A_432 : memref<8x4x1024xf32, #tpu.memory_space<vmem_shared>>)
      %add3A_436 = arith.addi %mul3A_194, %add3A_395 : i32
      %mul3A_437 = arith.constant 8 : i32
      %mul3A_438 = arith.muli %add3A_436, %mul3A_437 : i32
      %min3A_439 = arith.constant 2450 : i32
      %min3A_440 = arith.minsi %mul3A_438, %min3A_439 : i32
      %dma_start3A_441 = arith.constant 0 : i32
      %dma_start3A_442 = arith.constant 0 : i32
      %dma_start3A_443 = tpu.memref_slice %arg4[%min3A_440, %dma_start3A_441, %dma_start3A_442] : memref<2458x4x1024xf32, #tpu.memory_space<hbm>> -> memref<8x4x1024xf32, #tpu.memory_space<hbm>>
      %dma_start3A_444 = arith.constant 0 : i32
      %dma_start3A_445 = arith.constant 0 : i32
      %dma_start3A_446 = arith.constant 0 : i32
      %dma_start3A_447 = tpu.memref_slice %arg5[%arg1, %scan3A_328, %dma_start3A_444, %dma_start3A_445, %dma_start3A_446] : memref<16x2x8x4x1024xf32, #tpu.memory_space<vmem_shared>> -> memref<1x1x8x4x1024xf32, #tpu.memory_space<vmem_shared>>
      %dma_start3A_448 = tpu.memref_squeeze %dma_start3A_447 : memref<1x1x8x4x1024xf32, #tpu.memory_space<vmem_shared>> -> memref<8x4x1024xf32, #tpu.memory_space<vmem_shared>>
      tpu.enqueue_dma source(%dma_start3A_448 : memref<8x4x1024xf32, #tpu.memory_space<vmem_shared>>) target(%dma_start3A_443 : memref<8x4x1024xf32, #tpu.memory_space<hbm>>) target_semaphore(%arg15 : memref<!tpu.dma_semaphore, #tpu.memory_space<semaphore_mem>>)
      %mul3A_449 = arith.constant 4 : i32
      %mul3A_450 = arith.muli %scan3A_389, %mul3A_449 : i32
      %add3A_451 = arith.constant 3 : i32
      %add3A_452 = arith.addi %add3A_451, %mul3A_450 : i32
      %add3A_453 = arith.constant 1 : i32
      %add3A_454 = arith.addi %add3A_452, %add3A_453 : i32
      %sub3A_455 = arith.constant 3 : i32
      %sub3A_456 = arith.subi %add3A_454, %sub3A_455 : i32
      %add3A_457 = arith.addi %mul3A_194, %sub3A_456 : i32
      %mul3A_458 = arith.constant 8 : i32
      %mul3A_459 = arith.muli %add3A_457, %mul3A_458 : i32
      %min3A_460 = arith.constant 2450 : i32
      %min3A_461 = arith.minsi %mul3A_459, %min3A_460 : i32
      %dma_wait3A_462 = arith.constant 0 : i32
      %dma_wait3A_463 = arith.constant 0 : i32
      %dma_wait3A_464 = tpu.memref_slice %arg4[%min3A_461, %dma_wait3A_462, %dma_wait3A_463] : memref<2458x4x1024xf32, #tpu.memory_space<hbm>> -> memref<8x4x1024xf32, #tpu.memory_space<hbm>>
      %dma_wait3A_465 = arith.constant 0 : i32
      %dma_wait3A_466 = arith.constant 0 : i32
      %dma_wait3A_467 = tpu.memref_slice %arg4[%min3A_461, %dma_wait3A_465, %dma_wait3A_466] : memref<2458x4x1024xf32, #tpu.memory_space<hbm>> -> memref<8x4x1024xf32, #tpu.memory_space<hbm>>
      tpu.wait_dma2 semaphore(%arg13 : memref<!tpu.dma_semaphore, #tpu.memory_space<semaphore_mem>>) src(%arg7 : memref<8x4x1024xf32, #tpu.memory_space<vmem>>) dst(%dma_wait3A_467 : memref<8x4x1024xf32, #tpu.memory_space<hbm>>)
      %add3A_468 = arith.constant 1 : i32
      %add3A_469 = arith.addi %add3A_454, %add3A_468 : i32
      %min3A_470 = arith.constant 10 : i32
      %min3A_471 = arith.minsi %add3A_469, %min3A_470 : i32
      %add3A_472 = arith.addi %mul3A_194, %min3A_471 : i32
      %mul3A_473 = arith.constant 8 : i32
      %mul3A_474 = arith.muli %add3A_472, %mul3A_473 : i32
      %min3A_475 = arith.constant 2450 : i32
      %min3A_476 = arith.minsi %mul3A_474, %min3A_475 : i32
      %dma_start3A_477 = arith.constant 0 : i32
      %dma_start3A_478 = arith.constant 0 : i32
      %dma_start3A_479 = tpu.memref_slice %arg2[%min3A_476, %dma_start3A_477, %dma_start3A_478] : memref<8192x4x1024xf32, #tpu.memory_space<hbm>> -> memref<8x4x1024xf32, #tpu.memory_space<hbm>>
      %dma_start3A_480 = arith.constant 0 : i32
      %dma_start3A_481 = arith.constant 0 : i32
      %dma_start3A_482 = tpu.memref_slice %arg2[%min3A_476, %dma_start3A_480, %dma_start3A_481] : memref<8192x4x1024xf32, #tpu.memory_space<hbm>> -> memref<8x4x1024xf32, #tpu.memory_space<hbm>>
      tpu.enqueue_dma source(%dma_start3A_482 : memref<8x4x1024xf32, #tpu.memory_space<hbm>>) target(%arg7 : memref<8x4x1024xf32, #tpu.memory_space<vmem>>) target_semaphore(%arg9 : memref<!tpu.dma_semaphore, #tpu.memory_space<semaphore_mem>>)
      %add3A_483 = arith.addi %mul3A_194, %add3A_454 : i32
      %mul3A_484 = arith.constant 8 : i32
      %mul3A_485 = arith.muli %add3A_483, %mul3A_484 : i32
      %min3A_486 = arith.constant 2450 : i32
      %min3A_487 = arith.minsi %mul3A_485, %min3A_486 : i32
      %dma_wait3A_488 = arith.constant 0 : i32
      %dma_wait3A_489 = arith.constant 0 : i32
      %dma_wait3A_490 = tpu.memref_slice %arg2[%min3A_487, %dma_wait3A_488, %dma_wait3A_489] : memref<8192x4x1024xf32, #tpu.memory_space<hbm>> -> memref<8x4x1024xf32, #tpu.memory_space<hbm>>
      %dma_wait3A_491 = arith.constant 0 : i32
      %dma_wait3A_492 = arith.constant 0 : i32
      %dma_wait3A_493 = tpu.memref_slice %arg2[%min3A_487, %dma_wait3A_491, %dma_wait3A_492] : memref<8192x4x1024xf32, #tpu.memory_space<hbm>> -> memref<8x4x1024xf32, #tpu.memory_space<hbm>>
      tpu.wait_dma2 semaphore(%arg8 : memref<!tpu.dma_semaphore, #tpu.memory_space<semaphore_mem>>) src(%dma_wait3A_493 : memref<8x4x1024xf32, #tpu.memory_space<hbm>>) dst(%arg6 : memref<8x4x1024xf32, #tpu.memory_space<vmem>>)
      %add3A_494 = arith.addi %mul3A_194, %add3A_454 : i32
      %mul3A_495 = arith.constant 8 : i32
      %mul3A_496 = arith.muli %add3A_494, %mul3A_495 : i32
      %min3A_497 = arith.constant 2450 : i32
      %min3A_498 = arith.minsi %mul3A_496, %min3A_497 : i32
      %dma_start3A_499 = arith.constant 0 : i32
      %dma_start3A_500 = arith.constant 0 : i32
      %dma_start3A_501 = tpu.memref_slice %arg4[%min3A_498, %dma_start3A_499, %dma_start3A_500] : memref<2458x4x1024xf32, #tpu.memory_space<hbm>> -> memref<8x4x1024xf32, #tpu.memory_space<hbm>>
      %dma_start3A_502 = arith.constant 0 : i32
      %dma_start3A_503 = arith.constant 0 : i32
      %dma_start3A_504 = tpu.memref_slice %arg4[%min3A_498, %dma_start3A_502, %dma_start3A_503] : memref<2458x4x1024xf32, #tpu.memory_space<hbm>> -> memref<8x4x1024xf32, #tpu.memory_space<hbm>>
      tpu.enqueue_dma source(%arg6 : memref<8x4x1024xf32, #tpu.memory_space<vmem>>) target(%dma_start3A_504 : memref<8x4x1024xf32, #tpu.memory_space<hbm>>) target_semaphore(%arg12 : memref<!tpu.dma_semaphore, #tpu.memory_space<semaphore_mem>>)
      %mul3A_505 = arith.constant 4 : i32
      %mul3A_506 = arith.muli %scan3A_389, %mul3A_505 : i32
      %add3A_507 = arith.constant 3 : i32
      %add3A_508 = arith.addi %add3A_507, %mul3A_506 : i32
      %add3A_509 = arith.constant 2 : i32
      %add3A_510 = arith.addi %add3A_508, %add3A_509 : i32
      %sub3A_511 = arith.constant 3 : i32
      %sub3A_512 = arith.subi %add3A_510, %sub3A_511 : i32
      %add3A_513 = arith.addi %mul3A_194, %sub3A_512 : i32
      %mul3A_514 = arith.constant 8 : i32
      %mul3A_515 = arith.muli %add3A_513, %mul3A_514 : i32
      %min3A_516 = arith.constant 2450 : i32
      %min3A_517 = arith.minsi %mul3A_515, %min3A_516 : i32
      %dma_wait3A_518 = arith.constant 0 : i32
      %dma_wait3A_519 = arith.constant 0 : i32
      %dma_wait3A_520 = tpu.memref_slice %arg4[%min3A_517, %dma_wait3A_518, %dma_wait3A_519] : memref<2458x4x1024xf32, #tpu.memory_space<hbm>> -> memref<8x4x1024xf32, #tpu.memory_space<hbm>>
      %dma_wait3A_521 = arith.constant 0 : i32
      %dma_wait3A_522 = arith.constant 0 : i32
      %dma_wait3A_523 = arith.constant 0 : i32
      %dma_wait3A_524 = tpu.memref_slice %arg5[%arg1, %scan3A_329, %dma_wait3A_521, %dma_wait3A_522, %dma_wait3A_523] : memref<16x2x8x4x1024xf32, #tpu.memory_space<vmem_shared>> -> memref<1x1x8x4x1024xf32, #tpu.memory_space<vmem_shared>>
      %dma_wait3A_525 = tpu.memref_squeeze %dma_wait3A_524 : memref<1x1x8x4x1024xf32, #tpu.memory_space<vmem_shared>> -> memref<8x4x1024xf32, #tpu.memory_space<vmem_shared>>
      tpu.wait_dma2 semaphore(%arg14 : memref<!tpu.dma_semaphore, #tpu.memory_space<semaphore_mem>>) src(%dma_wait3A_525 : memref<8x4x1024xf32, #tpu.memory_space<vmem_shared>>) dst(%dma_wait3A_520 : memref<8x4x1024xf32, #tpu.memory_space<hbm>>)
      %add3A_526 = arith.constant 1 : i32
      %add3A_527 = arith.addi %add3A_510, %add3A_526 : i32
      %min3A_528 = arith.constant 10 : i32
      %min3A_529 = arith.minsi %add3A_527, %min3A_528 : i32
      %add3A_530 = arith.addi %mul3A_194, %min3A_529 : i32
      %mul3A_531 = arith.constant 8 : i32
      %mul3A_532 = arith.muli %add3A_530, %mul3A_531 : i32
      %min3A_533 = arith.constant 2450 : i32
      %min3A_534 = arith.minsi %mul3A_532, %min3A_533 : i32
      %dma_start3A_535 = arith.constant 0 : i32
      %dma_start3A_536 = arith.constant 0 : i32
      %dma_start3A_537 = arith.constant 0 : i32
      %dma_start3A_538 = tpu.memref_slice %arg5[%arg1, %scan3A_329, %dma_start3A_535, %dma_start3A_536, %dma_start3A_537] : memref<16x2x8x4x1024xf32, #tpu.memory_space<vmem_shared>> -> memref<1x1x8x4x1024xf32, #tpu.memory_space<vmem_shared>>
      %dma_start3A_539 = tpu.memref_squeeze %dma_start3A_538 : memref<1x1x8x4x1024xf32, #tpu.memory_space<vmem_shared>> -> memref<8x4x1024xf32, #tpu.memory_space<vmem_shared>>
      %dma_start3A_540 = arith.constant 0 : i32
      %dma_start3A_541 = arith.constant 0 : i32
      %dma_start3A_542 = tpu.memref_slice %arg2[%min3A_534, %dma_start3A_540, %dma_start3A_541] : memref<8192x4x1024xf32, #tpu.memory_space<hbm>> -> memref<8x4x1024xf32, #tpu.memory_space<hbm>>
      tpu.enqueue_dma source(%dma_start3A_542 : memref<8x4x1024xf32, #tpu.memory_space<hbm>>) target(%dma_start3A_539 : memref<8x4x1024xf32, #tpu.memory_space<vmem_shared>>) target_semaphore(%arg10 : memref<!tpu.dma_semaphore, #tpu.memory_space<semaphore_mem>>)
      %add3A_543 = arith.addi %mul3A_194, %add3A_510 : i32
      %mul3A_544 = arith.constant 8 : i32
      %mul3A_545 = arith.muli %add3A_543, %mul3A_544 : i32
      %min3A_546 = arith.constant 2450 : i32
      %min3A_547 = arith.minsi %mul3A_545, %min3A_546 : i32
      %dma_wait3A_548 = arith.constant 0 : i32
      %dma_wait3A_549 = arith.constant 0 : i32
      %dma_wait3A_550 = tpu.memref_slice %arg2[%min3A_547, %dma_wait3A_548, %dma_wait3A_549] : memref<8192x4x1024xf32, #tpu.memory_space<hbm>> -> memref<8x4x1024xf32, #tpu.memory_space<hbm>>
      %dma_wait3A_551 = arith.constant 0 : i32
      %dma_wait3A_552 = arith.constant 0 : i32
      %dma_wait3A_553 = tpu.memref_slice %arg2[%min3A_547, %dma_wait3A_551, %dma_wait3A_552] : memref<8192x4x1024xf32, #tpu.memory_space<hbm>> -> memref<8x4x1024xf32, #tpu.memory_space<hbm>>
      tpu.wait_dma2 semaphore(%arg9 : memref<!tpu.dma_semaphore, #tpu.memory_space<semaphore_mem>>) src(%dma_wait3A_553 : memref<8x4x1024xf32, #tpu.memory_space<hbm>>) dst(%arg7 : memref<8x4x1024xf32, #tpu.memory_space<vmem>>)
      %add3A_554 = arith.addi %mul3A_194, %add3A_510 : i32
      %mul3A_555 = arith.constant 8 : i32
      %mul3A_556 = arith.muli %add3A_554, %mul3A_555 : i32
      %min3A_557 = arith.constant 2450 : i32
      %min3A_558 = arith.minsi %mul3A_556, %min3A_557 : i32
      %dma_start3A_559 = arith.constant 0 : i32
      %dma_start3A_560 = arith.constant 0 : i32
      %dma_start3A_561 = tpu.memref_slice %arg4[%min3A_558, %dma_start3A_559, %dma_start3A_560] : memref<2458x4x1024xf32, #tpu.memory_space<hbm>> -> memref<8x4x1024xf32, #tpu.memory_space<hbm>>
      %dma_start3A_562 = arith.constant 0 : i32
      %dma_start3A_563 = arith.constant 0 : i32
      %dma_start3A_564 = tpu.memref_slice %arg4[%min3A_558, %dma_start3A_562, %dma_start3A_563] : memref<2458x4x1024xf32, #tpu.memory_space<hbm>> -> memref<8x4x1024xf32, #tpu.memory_space<hbm>>
      tpu.enqueue_dma source(%arg7 : memref<8x4x1024xf32, #tpu.memory_space<vmem>>) target(%dma_start3A_564 : memref<8x4x1024xf32, #tpu.memory_space<hbm>>) target_semaphore(%arg13 : memref<!tpu.dma_semaphore, #tpu.memory_space<semaphore_mem>>)
      %mul3A_565 = arith.constant 4 : i32
      %mul3A_566 = arith.muli %scan3A_389, %mul3A_565 : i32
      %add3A_567 = arith.constant 3 : i32
      %add3A_568 = arith.addi %add3A_567, %mul3A_566 : i32
      %add3A_569 = arith.constant 3 : i32
      %add3A_570 = arith.addi %add3A_568, %add3A_569 : i32
      %sub3A_571 = arith.constant 3 : i32
      %sub3A_572 = arith.subi %add3A_570, %sub3A_571 : i32
      %add3A_573 = arith.addi %mul3A_194, %sub3A_572 : i32
      %mul3A_574 = arith.constant 8 : i32
      %mul3A_575 = arith.muli %add3A_573, %mul3A_574 : i32
      %min3A_576 = arith.constant 2450 : i32
      %min3A_577 = arith.minsi %mul3A_575, %min3A_576 : i32
      %dma_wait3A_578 = arith.constant 0 : i32
      %dma_wait3A_579 = arith.constant 0 : i32
      %dma_wait3A_580 = tpu.memref_slice %arg4[%min3A_577, %dma_wait3A_578, %dma_wait3A_579] : memref<2458x4x1024xf32, #tpu.memory_space<hbm>> -> memref<8x4x1024xf32, #tpu.memory_space<hbm>>
      %dma_wait3A_581 = arith.constant 0 : i32
      %dma_wait3A_582 = arith.constant 0 : i32
      %dma_wait3A_583 = arith.constant 0 : i32
      %dma_wait3A_584 = tpu.memref_slice %arg5[%arg1, %scan3A_328, %dma_wait3A_581, %dma_wait3A_582, %dma_wait3A_583] : memref<16x2x8x4x1024xf32, #tpu.memory_space<vmem_shared>> -> memref<1x1x8x4x1024xf32, #tpu.memory_space<vmem_shared>>
      %dma_wait3A_585 = tpu.memref_squeeze %dma_wait3A_584 : memref<1x1x8x4x1024xf32, #tpu.memory_space<vmem_shared>> -> memref<8x4x1024xf32, #tpu.memory_space<vmem_shared>>
      tpu.wait_dma2 semaphore(%arg15 : memref<!tpu.dma_semaphore, #tpu.memory_space<semaphore_mem>>) src(%dma_wait3A_585 : memref<8x4x1024xf32, #tpu.memory_space<vmem_shared>>) dst(%dma_wait3A_580 : memref<8x4x1024xf32, #tpu.memory_space<hbm>>)
      %add3A_586 = arith.constant 1 : i32
      %add3A_587 = arith.addi %add3A_570, %add3A_586 : i32
      %min3A_588 = arith.constant 10 : i32
      %min3A_589 = arith.minsi %add3A_587, %min3A_588 : i32
      %add3A_590 = arith.addi %mul3A_194, %min3A_589 : i32
      %mul3A_591 = arith.constant 8 : i32
      %mul3A_592 = arith.muli %add3A_590, %mul3A_591 : i32
      %min3A_593 = arith.constant 2450 : i32
      %min3A_594 = arith.minsi %mul3A_592, %min3A_593 : i32
      %dma_start3A_595 = arith.constant 0 : i32
      %dma_start3A_596 = arith.constant 0 : i32
      %dma_start3A_597 = arith.constant 0 : i32
      %dma_start3A_598 = tpu.memref_slice %arg5[%arg1, %scan3A_328, %dma_start3A_595, %dma_start3A_596, %dma_start3A_597] : memref<16x2x8x4x1024xf32, #tpu.memory_space<vmem_shared>> -> memref<1x1x8x4x1024xf32, #tpu.memory_space<vmem_shared>>
      %dma_start3A_599 = tpu.memref_squeeze %dma_start3A_598 : memref<1x1x8x4x1024xf32, #tpu.memory_space<vmem_shared>> -> memref<8x4x1024xf32, #tpu.memory_space<vmem_shared>>
      %dma_start3A_600 = arith.constant 0 : i32
      %dma_start3A_601 = arith.constant 0 : i32
      %dma_start3A_602 = tpu.memref_slice %arg2[%min3A_594, %dma_start3A_600, %dma_start3A_601] : memref<8192x4x1024xf32, #tpu.memory_space<hbm>> -> memref<8x4x1024xf32, #tpu.memory_space<hbm>>
      tpu.enqueue_dma source(%dma_start3A_602 : memref<8x4x1024xf32, #tpu.memory_space<hbm>>) target(%dma_start3A_599 : memref<8x4x1024xf32, #tpu.memory_space<vmem_shared>>) target_semaphore(%arg11 : memref<!tpu.dma_semaphore, #tpu.memory_space<semaphore_mem>>)
      %add3A_603 = arith.addi %mul3A_194, %add3A_570 : i32
      %mul3A_604 = arith.constant 8 : i32
      %mul3A_605 = arith.muli %add3A_603, %mul3A_604 : i32
      %min3A_606 = arith.constant 2450 : i32
      %min3A_607 = arith.minsi %mul3A_605, %min3A_606 : i32
      %dma_wait3A_608 = arith.constant 0 : i32
      %dma_wait3A_609 = arith.constant 0 : i32
      %dma_wait3A_610 = arith.constant 0 : i32
      %dma_wait3A_611 = tpu.memref_slice %arg5[%arg1, %scan3A_329, %dma_wait3A_608, %dma_wait3A_609, %dma_wait3A_610] : memref<16x2x8x4x1024xf32, #tpu.memory_space<vmem_shared>> -> memref<1x1x8x4x1024xf32, #tpu.memory_space<vmem_shared>>
      %dma_wait3A_612 = tpu.memref_squeeze %dma_wait3A_611 : memref<1x1x8x4x1024xf32, #tpu.memory_space<vmem_shared>> -> memref<8x4x1024xf32, #tpu.memory_space<vmem_shared>>
      %dma_wait3A_613 = arith.constant 0 : i32
      %dma_wait3A_614 = arith.constant 0 : i32
      %dma_wait3A_615 = tpu.memref_slice %arg2[%min3A_607, %dma_wait3A_613, %dma_wait3A_614] : memref<8192x4x1024xf32, #tpu.memory_space<hbm>> -> memref<8x4x1024xf32, #tpu.memory_space<hbm>>
      tpu.wait_dma2 semaphore(%arg10 : memref<!tpu.dma_semaphore, #tpu.memory_space<semaphore_mem>>) src(%dma_wait3A_615 : memref<8x4x1024xf32, #tpu.memory_space<hbm>>) dst(%dma_wait3A_612 : memref<8x4x1024xf32, #tpu.memory_space<vmem_shared>>)
      %add3A_616 = arith.addi %mul3A_194, %add3A_570 : i32
      %mul3A_617 = arith.constant 8 : i32
      %mul3A_618 = arith.muli %add3A_616, %mul3A_617 : i32
      %min3A_619 = arith.constant 2450 : i32
      %min3A_620 = arith.minsi %mul3A_618, %min3A_619 : i32
      %dma_start3A_621 = arith.constant 0 : i32
      %dma_start3A_622 = arith.constant 0 : i32
      %dma_start3A_623 = tpu.memref_slice %arg4[%min3A_620, %dma_start3A_621, %dma_start3A_622] : memref<2458x4x1024xf32, #tpu.memory_space<hbm>> -> memref<8x4x1024xf32, #tpu.memory_space<hbm>>
      %dma_start3A_624 = arith.constant 0 : i32
      %dma_start3A_625 = arith.constant 0 : i32
      %dma_start3A_626 = arith.constant 0 : i32
      %dma_start3A_627 = tpu.memref_slice %arg5[%arg1, %scan3A_329, %dma_start3A_624, %dma_start3A_625, %dma_start3A_626] : memref<16x2x8x4x1024xf32, #tpu.memory_space<vmem_shared>> -> memref<1x1x8x4x1024xf32, #tpu.memory_space<vmem_shared>>
      %dma_start3A_628 = tpu.memref_squeeze %dma_start3A_627 : memref<1x1x8x4x1024xf32, #tpu.memory_space<vmem_shared>> -> memref<8x4x1024xf32, #tpu.memory_space<vmem_shared>>
      tpu.enqueue_dma source(%dma_start3A_628 : memref<8x4x1024xf32, #tpu.memory_space<vmem_shared>>) target(%dma_start3A_623 : memref<8x4x1024xf32, #tpu.memory_space<hbm>>) target_semaphore(%arg14 : memref<!tpu.dma_semaphore, #tpu.memory_space<semaphore_mem>>)
    }
    %scan3A_334 = arith.constant 2 : i32
    %add3A_335 = arith.constant 8 : i32
    %add3A_336 = arith.addi %mul3A_194, %add3A_335 : i32
    %mul3A_337 = arith.constant 8 : i32
    %mul3A_338 = arith.muli %add3A_336, %mul3A_337 : i32
    %min3A_339 = arith.constant 2450 : i32
    %min3A_340 = arith.minsi %mul3A_338, %min3A_339 : i32
    %dma_wait3A_341 = arith.constant 0 : i32
    %dma_wait3A_342 = arith.constant 0 : i32
    %dma_wait3A_343 = tpu.memref_slice %arg4[%min3A_340, %dma_wait3A_341, %dma_wait3A_342] : memref<2458x4x1024xf32, #tpu.memory_space<hbm>> -> memref<8x4x1024xf32, #tpu.memory_space<hbm>>
    %dma_wait3A_344 = arith.constant 0 : i32
    %dma_wait3A_345 = arith.constant 0 : i32
    %dma_wait3A_346 = tpu.memref_slice %arg4[%min3A_340, %dma_wait3A_344, %dma_wait3A_345] : memref<2458x4x1024xf32, #tpu.memory_space<hbm>> -> memref<8x4x1024xf32, #tpu.memory_space<hbm>>
    tpu.wait_dma2 semaphore(%arg12 : memref<!tpu.dma_semaphore, #tpu.memory_space<semaphore_mem>>) src(%arg6 : memref<8x4x1024xf32, #tpu.memory_space<vmem>>) dst(%dma_wait3A_346 : memref<8x4x1024xf32, #tpu.memory_space<hbm>>)
    %add3A_347 = arith.constant 9 : i32
    %add3A_348 = arith.addi %mul3A_194, %add3A_347 : i32
    %mul3A_349 = arith.constant 8 : i32
    %mul3A_350 = arith.muli %add3A_348, %mul3A_349 : i32
    %min3A_351 = arith.constant 2450 : i32
    %min3A_352 = arith.minsi %mul3A_350, %min3A_351 : i32
    %dma_wait3A_353 = arith.constant 0 : i32
    %dma_wait3A_354 = arith.constant 0 : i32
    %dma_wait3A_355 = tpu.memref_slice %arg4[%min3A_352, %dma_wait3A_353, %dma_wait3A_354] : memref<2458x4x1024xf32, #tpu.memory_space<hbm>> -> memref<8x4x1024xf32, #tpu.memory_space<hbm>>
    %dma_wait3A_356 = arith.constant 0 : i32
    %dma_wait3A_357 = arith.constant 0 : i32
    %dma_wait3A_358 = tpu.memref_slice %arg4[%min3A_352, %dma_wait3A_356, %dma_wait3A_357] : memref<2458x4x1024xf32, #tpu.memory_space<hbm>> -> memref<8x4x1024xf32, #tpu.memory_space<hbm>>
    tpu.wait_dma2 semaphore(%arg13 : memref<!tpu.dma_semaphore, #tpu.memory_space<semaphore_mem>>) src(%arg7 : memref<8x4x1024xf32, #tpu.memory_space<vmem>>) dst(%dma_wait3A_358 : memref<8x4x1024xf32, #tpu.memory_space<hbm>>)
    %add3A_359 = arith.constant 10 : i32
    %add3A_360 = arith.addi %mul3A_194, %add3A_359 : i32
    %mul3A_361 = arith.constant 8 : i32
    %mul3A_362 = arith.muli %add3A_360, %mul3A_361 : i32
    %min3A_363 = arith.constant 2450 : i32
    %min3A_364 = arith.minsi %mul3A_362, %min3A_363 : i32
    %dma_wait3A_365 = arith.constant 0 : i32
    %dma_wait3A_366 = arith.constant 0 : i32
    %dma_wait3A_367 = arith.constant 0 : i32
    %dma_wait3A_368 = tpu.memref_slice %arg4[%min3A_364, %dma_wait3A_366, %dma_wait3A_367] : memref<2458x4x1024xf32, #tpu.memory_space<hbm>> -> memref<8x4x1024xf32, #tpu.memory_space<hbm>>
    %dma_wait3A_369 = arith.constant 0 : i32
    %dma_wait3A_370 = arith.constant 0 : i32
    %dma_wait3A_371 = arith.constant 0 : i32
    %dma_wait3A_372 = tpu.memref_slice %arg5[%arg1, %dma_wait3A_365, %dma_wait3A_369, %dma_wait3A_370, %dma_wait3A_371] : memref<16x2x8x4x1024xf32, #tpu.memory_space<vmem_shared>> -> memref<1x1x8x4x1024xf32, #tpu.memory_space<vmem_shared>>
    %dma_wait3A_373 = tpu.memref_squeeze %dma_wait3A_372 : memref<1x1x8x4x1024xf32, #tpu.memory_space<vmem_shared>> -> memref<8x4x1024xf32, #tpu.memory_space<vmem_shared>>
    tpu.wait_dma2 semaphore(%arg14 : memref<!tpu.dma_semaphore, #tpu.memory_space<semaphore_mem>>) src(%dma_wait3A_373 : memref<8x4x1024xf32, #tpu.memory_space<vmem_shared>>) dst(%dma_wait3A_368 : memref<8x4x1024xf32, #tpu.memory_space<hbm>>)
    %add3A_374 = arith.constant 10 : i32
    %add3A_375 = arith.addi %mul3A_194, %add3A_374 : i32
    %mul3A_376 = arith.constant 8 : i32
    %mul3A_377 = arith.muli %add3A_375, %mul3A_376 : i32
    %min3A_378 = arith.constant 2450 : i32
    %min3A_379 = arith.minsi %mul3A_377, %min3A_378 : i32
    %dma_wait3A_380 = arith.constant 1 : i32
    %dma_wait3A_381 = arith.constant 0 : i32
    %dma_wait3A_382 = arith.constant 0 : i32
    %dma_wait3A_383 = arith.constant 0 : i32
    %dma_wait3A_384 = tpu.memref_slice %arg5[%arg1, %dma_wait3A_380, %dma_wait3A_381, %dma_wait3A_382, %dma_wait3A_383] : memref<16x2x8x4x1024xf32, #tpu.memory_space<vmem_shared>> -> memref<1x1x8x4x1024xf32, #tpu.memory_space<vmem_shared>>
    %dma_wait3A_385 = tpu.memref_squeeze %dma_wait3A_384 : memref<1x1x8x4x1024xf32, #tpu.memory_space<vmem_shared>> -> memref<8x4x1024xf32, #tpu.memory_space<vmem_shared>>
    %dma_wait3A_386 = arith.constant 0 : i32
    %dma_wait3A_387 = arith.constant 0 : i32
    %dma_wait3A_388 = tpu.memref_slice %arg2[%min3A_379, %dma_wait3A_386, %dma_wait3A_387] : memref<8192x4x1024xf32, #tpu.memory_space<hbm>> -> memref<8x4x1024xf32, #tpu.memory_space<hbm>>
    tpu.wait_dma2 semaphore(%arg11 : memref<!tpu.dma_semaphore, #tpu.memory_space<semaphore_mem>>) src(%dma_wait3A_388 : memref<8x4x1024xf32, #tpu.memory_space<hbm>>) dst(%dma_wait3A_385 : memref<8x4x1024xf32, #tpu.memory_space<vmem_shared>>)
    return
  }
}

</mosaic_0001>

<sc_bundles>
// kernel: kernel.3.cloned.1.call-start
scs
__scs_entry_jumppad:
0x0: {  	(pc) =	sbr.rel $0x88, $3  }
0x1: {  	(tag) =	ssettag $0x0;
	lr =	simm.s32 $0x1  }
0x2: {  	[smem:$0x3FA0] =	sst lr;
	_ =	strace $0xD0000000  }
0x3: {  	_ = 	snop  }
0x4: {  	_ = 	snop  }
0x5: {  	_ = 	snop  }
0x6: {  	_ = 	snop  }
0x7: {  	_ = 	snop  }
__scs_overlays_trampoline_lowered:
0x8: {  	[smem:$0x3FAF] =	sst s0  }
0x9: {  	[smem:$0x3FB0] =	sst s1  }
0xa: {  	[smem:$0x3FB1] =	sst s2  }
0xb: {  	[smem:$0x3FB2] =	sst s3  }
0xc: {  	[smem:$0x3FB3] =	sst s4  }
0xd: {  	[smem:$0x3FB4] =	sst s5  }
0xe: {  	[smem:$0x3FB5] =	sst s6  }
0xf: {  	[smem:$0x3FB6] =	sst s7  }
0x10: {  	[smem:$0x3FB7] =	sst s8  }
0x11: {  	[smem:$0x3FB8] =	sst s9;
	s0 =	simm.s32 @!p0 $0x0  }
0x12: {  	s1 =	sld [smem:$0x3F9E];
	s0 =	simm.s32 @p0 $0x1  }
0x13: {  	[smem:$0x3FB9] =	sst s0;
	s0 =	simm.s32 @!p1 $0x0  }
0x14: {  	s2 =	sld [smem:$0x3F9D];
	s0 =	simm.s32 @p1 $0x1  }
0x15: {  	[smem:$0x3FBA] =	sst s0;
	s0 =	simm.s32 @!p2 $0x0  }
0x16: {  	s3 =	sld [smem:$0x3FDB];
	s0 =	simm.s32 @p2 $0x1  }
0x17: {  	s4 =	simm.s32 $0x1BF5;
	[smem:$0x3FBC] =	sst s0  }
0x18: {  	s0 =	sld [smem:$0x3F9F];
	_ =	swait.ge [sflag:s4], $0x0  }
0x19: {  	s7 =	sld [smem:$0x3FA0]  }
0x1a: {  	s8 =	sadd.s32 $0xFFFFE003, lr  }
0x1b: {  	s9 =	sadd.s32 $0xFFFFFEF7, lr;
	s5 =	simm.s32 $0xFFFFFFFF;
	p2 =	slt.u32 s8, $0xFFFFF086  }
0x1c: {  	p1 =	slt.u32 s9, $0xF7A;
	s5 =	simm.s32 @!p2 $0x0  }
0x1d: {  	s5 =	simm.s32 @p1 $0x1;
	p0 =	seq.s32 s7, s2  }
0x1e: {  	s7 =	smul.u32 @!p0 $0xF7A, s2;
	p2 =	seq.s32 @!p0 s5, $0x0  }
0x1f: {  	s9 =	smul.u32 $0xF7A, s1;
	s8 =	simm.s32 @!p0 $0x1BF5;
	p2 =	por !p2, p0  }
0x20: {  	[sflag:s8] =	ssyncset.s32 @!p0 $0xFFFFF086;
	s6 =	sadd.s32 @!p0 s3, s7;
	s7 =	simm.s32 @!p0 $0x108  }
0x21: {  	s3 =	sadd.s32 s3, s9;
	s6 =	sadd.s32 @!p0 $0x88, s6;
	s7 =	simm.s32 @p2 $0x1082  }
0x22: {  	[simem:s7], [sflag:s8] =	dma.local @!p0 [hbm:s6], $0xF7A  }
0x23: {  	s9 =	sor.u32 $0xD0000000, s2;
	s6 =	simm.s32 $0x108;
	_ =	swait.ge @!p0 [sflag:s8], $0x0  }
0x24: {  	s3 =	sadd.s32 $0x88, s3;
	s6 =	simm.s32 @!p1 $0x1082;
	[sflag:s4] =	ssyncset.s32 $0xFFFFF086  }
0x25: {  	[simem:s6], [sflag:s4] =	dma.local [hbm:s3], $0xF7A  }
0x26: {  	[smem:$0x3FA0] =	sst s1;
	(tag) =	ssettag s2;
	_ =	strace s9  }
0x27: {  	s1 =	sld [smem:$0x3FB0]  }
0x28: {  	s2 =	sld [smem:$0x3FB1]  }
0x29: {  	s4 =	sld [smem:$0x3FB3]  }
0x2a: {  	p0 =	seq.s32 s5, $0x0;
	s5 =	sld [smem:$0x3FB4]  }
0x2b: {  	s6 =	sld [smem:$0x3FB5]  }
0x2c: {  	s7 =	sld [smem:$0x3FB6]  }
0x2d: {  	s3 =	simm.s32 $0x108;
	s8 =	sld [smem:$0x3FB7]  }
0x2e: {  	s3 =	simm.s32 @!p0 $0x1082;
	s9 =	sld [smem:$0x3FB8]  }
0x2f: {  	lr =	sadd.s32 s0, s3;
	s0 =	sld [smem:$0x3FAF]  }
0x30: {  	s3 =	sld [smem:$0x3FB2]  }
0x31: {  	[smem:$0x3FBB] =	sst s10  }
0x32: {  	s10 =	sld [smem:$0x3FB9];
	_ =	sdelay $0x3  }
0x33: {  	p0 =	seq.s32 s10, $0x1;
	s10 =	sld [smem:$0x3FBB];
	_ =	sdelay $0x3  }
0x34: {  	[smem:$0x3FBB] =	sst s10  }
0x35: {  	s10 =	sld [smem:$0x3FBA];
	_ =	sdelay $0x3  }
0x36: {  	p1 =	seq.s32 s10, $0x1;
	s10 =	sld [smem:$0x3FBB];
	_ =	sdelay $0x3  }
0x37: {  	[smem:$0x3FBB] =	sst s10  }
0x38: {  	s10 =	sld [smem:$0x3FBC]  }
0x39: {  	_ = 	snop;
	(pc) =	sbr.ind lr, $3  }
0x3a: {  	_ = 	snop  }
0x3b: {  	_ = 	snop  }
0x3c: {  	p2 =	seq.s32 s10, $0x1;
	s10 =	sld [smem:$0x3FBB]  }
0x3d: {  	_ =	shalt  }
0x3e: {  	_ =	shalt  }
0x3f: {  	_ =	shalt  }
0x40: {  	_ =	shalt  }
0x41: {  	_ =	shalt  }
0x42: {  	_ =	shalt  }
0x43: {  	_ =	shalt  }
0x44: {  	_ =	shalt  }
0x45: {  	_ =	shalt  }
0x46: {  	_ =	shalt  }
0x47: {  	_ =	shalt  }
0x48: {  	_ =	shalt  }
0x49: {  	_ =	shalt  }
0x4a: {  	_ =	shalt  }
0x4b: {  	_ =	shalt  }
0x4c: {  	_ =	shalt  }
0x4d: {  	_ =	shalt  }
0x4e: {  	_ =	shalt  }
0x4f: {  	_ =	shalt  }
0x50: {  	_ =	shalt  }
0x51: {  	_ =	shalt  }
0x52: {  	_ =	shalt  }
0x53: {  	_ =	shalt  }
0x54: {  	_ =	shalt  }
0x55: {  	_ =	shalt  }
0x56: {  	_ =	shalt  }
0x57: {  	_ =	shalt  }
0x58: {  	_ =	shalt  }
0x59: {  	_ =	shalt  }
0x5a: {  	_ =	shalt  }
0x5b: {  	_ =	shalt  }
0x5c: {  	_ =	shalt  }
0x5d: {  	_ =	shalt  }
0x5e: {  	_ =	shalt  }
0x5f: {  	_ =	shalt  }
0x60: {  	_ =	shalt  }
0x61: {  	_ =	shalt  }
0x62: {  	_ =	shalt  }
0x63: {  	_ =	shalt  }
0x64: {  	_ =	shalt  }
0x65: {  	_ =	shalt  }
0x66: {  	_ =	shalt  }
0x67: {  	_ =	shalt  }
0x68: {  	_ =	shalt  }
0x69: {  	_ =	shalt  }
0x6a: {  	_ =	shalt  }
0x6b: {  	_ =	shalt  }
0x6c: {  	_ =	shalt  }
0x6d: {  	_ =	shalt  }
0x6e: {  	_ =	shalt  }
0x6f: {  	_ =	shalt  }
0x70: {  	_ =	shalt  }
0x71: {  	_ =	shalt  }
0x72: {  	_ =	shalt  }
0x73: {  	_ =	shalt  }
0x74: {  	_ =	shalt  }
0x75: {  	_ =	shalt  }
0x76: {  	_ =	shalt  }
0x77: {  	_ =	shalt  }
0x78: {  	_ =	shalt  }
0x79: {  	_ =	shalt  }
0x7a: {  	_ =	shalt  }
0x7b: {  	_ =	shalt  }
0x7c: {  	_ =	shalt  }
0x7d: {  	_ =	shalt  }
0x7e: {  	_ =	shalt  }
0x7f: {  	_ =	shalt  }
0x80: {  	_ =	shalt  }
0x81: {  	_ =	shalt  }
0x82: {  	_ =	shalt  }
0x83: {  	_ =	shalt  }
0x84: {  	_ =	shalt  }
0x85: {  	_ =	shalt  }
0x86: {  	_ =	shalt  }
0x87: {  	_ =	shalt  }
.Lfunc_end0:
.L_simem_size_0:
called_computation_lowered:
.L_overlay_start_0:
0x88: {  	s2 =	sld [smem:$0x3FD9]  }
0x89: {  	s3 =	sld [smem:$0x3FFE];
	_ =	sdelay $0x1  }
0x8a: {  	s1 =	srdreg.scid  }
0x8b: {  	s0 =	sand.u32 $0x1, s1  }
0x8c: {  	s15 =	sshll.u32 s0, $0xA;
	s2 =	sadd.s32 s3, s2  }
0x8d: {  	s2 =	sadd.s32 s2, s15  }
0x8e: {  	[smem:$0x3FC7] =	sst s2  }
0x8f: {  	_ = 	snop  }
0x90: {  	s2 =	sld [smem:$0x3FD0];
	_ =	sdelay $0x2  }
0x91: {  	s4 =	simm.s32 $0xA;
	s5 =	simm.s32 $0x10;
	s16 =	sld [smem:$0x3FC9]  }
0x92: {  	[smem:s5], [sflag:s4] =	dma.local [hbm:s2], $0x1  }
0x93: {  	_ =	swait.eq [sflag:s4], $0x1  }
0x94: {  	[sflag:s4] =	ssyncset.done $0x0  }
0x95: {  	s17 =	sld [smem:$0x10];
	[sflag:s4] =	ssyncadd.s32 $0xFFFFFFFF  }
0x96: {  	s18 =	sld [smem:$0x11];
	(tm) =	ssettm $0x1  }
0x97: {  	s19 =	sld [smem:$0x3FFB];
	_ =	sdelay $0x3  }
0x98: {  	_ =	strace s19  }
0x99: {  	s5 =	sld [smem:$0x3FFC];
	_ =	sdelay $0x3  }
0x9a: {  	_ =	strace s5  }
0x9b: {  	s5 =	sld [smem:$0x3FFD];
	_ =	sdelay $0x3  }
0x9c: {  	_ =	strace s5  }
0x9d: {  	_ =	strace $0x8FFFFFFF  }
0x9e: {  	s20 =	sld [smem:$0x3FDB];
	_ =	sdelay $0x1  }
0x9f: {  	s6 =	simm.s32 $_scs_section_size  }
0xa0: {  	s7 =	simm.s32 $_size__tile_overlayer_lowered;
	s8 =	simm.s32 $_tile_overlayer_lowered  }
0xa1: {  	s23 =	simm.s32 $0x1BFF;
	s22 =	sshll.u32 s8, $0x1;
	s5 =	sadd.s32 s6, s20  }
0xa2: {  	s9 =	simm.s32 $0x0;
	s21 =	sshll.u32 s7, $0x1;
	s7 =	sadd.s32 s22, s5  }
0xa3: {  	[timem:s9], [sflag:s23] =	dma.local [hbm:s7], s21  }
0xa4: {  	_ =	swait.ge [sflag:s23], s21  }
0xa5: {  	s6 =	ssub.s32 $0x0, s21;
	[sflag:s23] =	ssyncset.done $0x0  }
0xa6: {  	[sflag:s23] =	ssyncadd.s32 s6;
	_ =	sdelay $0x1  }
0xa7: {  	s24 =	simm.s32 $0x1B8B  }
0xa8: {  	_ =	swait.ge [sflag:s24], $0x1  }
0xa9: {  	[sflag:s24] =	ssyncset.done $0x0  }
0xaa: {  	s25 =	simm.s32 $0x1B8E;
	[sflag:s24] =	ssyncadd.s32 $0xFFFFFFFF  }
0xab: {  	s26 =	simm.s32 $execute0_lowered;
	[smem:$0x3FD2] =	sst s25  }
0xac: {  	s6 =	sshll.u32 s26, $0x1;
	_ =	strace $0x80000046;
	[dreg:$0x1] =	wrdreg $0xFFFFFFFF  }
0xad: {  	s28 =	simm.s32 $_size_execute0_lowered;
	s5 =	sadd.s32 s5, s6;
	[dreg:$0x0] =	wrdreg $0x0  }
0xae: {  	s6 =	sshll.u32 s28, $0x1;
	[dreg:$0x2] =	wrdreg s5  }
0xaf: {  	[dreg:$0x3] =	wrdreg s6  }
0xb0: {  	[dreg:$0x4] =	wrdreg $0xC0  }
0xb1: {  	_ =	task [dreg:s9], $0x5FFFF  }
0xb2: {  	[dreg:$0x1] =	wrdreg $0xFFFFFFFF  }
0xb3: {  	[dreg:$0x0] =	wrdreg $0x60  }
0xb4: {  	[dreg:$0x2] =	wrdreg s16  }
0xb5: {  	[dreg:$0x3] =	wrdreg s17  }
0xb6: {  	[dreg:$0x4] =	wrdreg s18  }
0xb7: {  	[dreg:$0x5] =	wrdreg $0x0  }
0xb8: {  	[dreg:$0x6] =	wrdreg $0x9  }
0xb9: {  	_ =	task.clear_ibuf [dreg:s9], $0x7FFFF;
	_ =	strace $0x90000046  }
0xba: {  	s29 =	simm.s32 $0x9;
	_ =	strace $0x80000048  }
0xbb: {  	_ =	swait.ge [sflag:s29], $0x1  }
0xbc: {  	[sflag:s29] =	ssyncadd.s32 $0xFFFFFFFF  }
0xbd: {  	_ =	strace $0x90000048  }
0xbe: {  	_ =	sfence  }
0xbf: {  	s30 =	sld [smem:$0x0];
	_ =	sdelay $0x2  }
0xc0: {  	s31 =	sshll.u32 s1, $0xD;
	s1 =	sshrl.u32 s1, $0x2  }
0xc1: {  	s3 =	sand.u32 $0x4000, s31;
	s1 =	sadd.s32 s1, s30  }
0xc2: {  	s0 =	sor.u32 s3, s0;
	s1 =	sshll.u32 s1, $0x11  }
0xc3: {  	s0 =	sor.u32 s1, s0  }
0xc4: {  	s0 =	sadd.s32 $0x8F2B, s0  }
0xc5: {  	[sflag:s0] =	ssyncadd.remote.s32 $0x1  }
0xc6: {  	_ =	sfence.sel $0xFFFF  }
0xc7: {  	[dreg:$0x0] =	wrdreg $0xFFFFFFFF;
	(pc) =	sbr.abs _section_cstart, $3  }
0xc8: {  	[dreg:$0x1] =	wrdreg $0xFFFFFFFF  }
0xc9: {  	_ =	task.clear_ibuf [dreg:s9], $0x2FFFF;
	_ =	strace $0x9FFFFFFF  }
0xca: {  	(tm) =	ssettm $0x7FFFFFFF  }
0xcb: {  	_ =	shalt  }
tec
execute0_lowered:
.L_overlay_start_1:
0x0: {  	(tag) =	ssettag $0x1  }
0x1: {  	s1 =	rddreg [dreg:$0x0]  }
0x2: {  	s3 =	rddreg [dreg:$0x1]  }
0x3: {  	s2 =	srdreg.scid;
	s14 =	stileid.u32  }
0x4: {  	s4 =	rddreg [dreg:$0x2];
	s2 =	sand.u32 $0x1, s2;
	s6 =	sshll.u32 s14, $0x1  }
0x5: {  	s7 =	ssub.s32 $0x2, s2;
	s6 =	sor.u32 s2, s6;
	s2 =	smul.u32 $0xB8, s2  }
0x6: {  	s0 =	rddreg [dreg:$0x3];
	s9 =	smul.u32 $0x17000, s6  }
0x7: {  	s5 =	simm.s32 $0x0;
	s31 =	simm.s32 $0x10000;
	s19 =	smul.u32 $0x17, s6  }
0x8: {  	[smem:$0x7FF] =	sst s5;
	s21 =	sshll.u32 s14, $0x10;
	s10 =	smul.u32 $0xB8, s6  }
0x9: {  	s24 =	sadd.s32 $0x3000, s1;
	_ =	strace $0x80000047;
	s26 =	smul.u32 $0x58, s6  }
0xa: {  	s15 =	sadd.s32 s21, s0;
	s8 =	sshrl.u32 s7, $0x1;
	s6 =	smul.u32 $0xB, s6  }
0xb: {  	[dreg:$0x9] =	wrdreg s15;
	s7 =	ssub.s32 s7, s8;
	s11 =	sadd.s32 s1, s9  }
0xc: {  	s20 =	sadd.s32 $0x1000, s9;
	s13 =	sadd.s32 $0x2000, s9;
	s23 =	smin.u32 s10, $0x1646  }
0xd: {  	s10 =	sshll.u32 s14, $0x6;
	s25 =	sadd.s32 s3, s9;
	s8 =	sadd.s32 $0x7, s19  }
0xe: {  	s16 =	smin.u32 s26, $0x98A;
	s18 =	smin.u32 s26, $0x982;
	[dreg:$0x7] =	wrdreg s11  }
0xf: {  	s19 =	smul.u32 $0x170, s14;
	s28 =	sadd.s32 $0x6, s6;
	[dreg:$0xd] =	wrdreg s25  }
0x10: {  	s14 =	simm.s32 $0x8;
	s12 =	sadd.s32 s1, s20;
	[dreg:$0x5] =	wrdreg s8  }
0x11: {  	s22 =	sadd.s32 s1, s13;
	s0 =	sshll.u32 s23, $0x9;
	[dreg:$0xb] =	wrdreg s10  }
0x12: {  	s30 =	sadd.s32 s3, s20;
	s11 =	sadd.s32 s3, s13;
	[dreg:$0x8] =	wrdreg s12  }
0x13: {  	s13 =	smin.u32 s26, $0x992;
	s9 =	sshll.u32 s16, $0x9;
	[dreg:$0xa] =	wrdreg s22  }
0x14: {  	s29 =	sor.u32 $0x1C03, s10;
	s10 =	simm.s32 $0x0;
	[dreg:$0xe] =	wrdreg s30  }
0x15: {  	s0 =	sadd.s32 s0, s24;
	[dreg:$0xf] =	wrdreg s11;
	s8 =	sshll.u32 s13, $0x9  }
0x16: {  	s9 =	sadd.s32 $0x1000, s9;
	s11 =	sshll.u32 s18, $0x9;
	s30 =	sadd.s32 $0x8000, s15  }
0x17: {  	s12 =	simm.s32 $0x6;
	s13 =	simm.s32 $0x7;
	[dreg:$0xc] =	wrdreg s0  }
0x18: {  	s17 =	sadd.s32 s1, s8;
	s0 =	smin.u32 s26, $0x97A;
	[dreg:$0x19] =	wrdreg s30  }
0x19: {  	s11 =	sadd.s32 $0x2000, s11;
	s20 =	sadd.s32 s1, s9;
	[dreg:$0x10] =	wrdreg s17  }
0x1a: {  	s22 =	sadd.s32 s4, s8;
	s23 =	sadd.s32 s4, s9;
	[dreg:$0x11] =	wrdreg s20  }
0x1b: {  	s26 =	smax.u32 s7, $0x1;
	s7 =	simm.s32 $0x3;
	[dreg:$0x14] =	wrdreg s22  }
0x1c: {  	s9 =	simm.s32 $0x5;
	s0 =	sshll.u32 s0, $0x9;
	[dreg:$0x15] =	wrdreg s23  }
0x1d: {  	s21 =	sadd.s32 s1, s11;
	s25 =	sadd.s32 s4, s11;
	[dreg:$0x18] =	wrdreg s26  }
0x1e: {  	s22 =	sadd.s32 $0x3, s6;
	s23 =	sadd.s32 $0x7, s6;
	[dreg:$0x13] =	wrdreg s21  }
0x1f: {  	s26 =	sadd.s32 $0x5, s6;
	s11 =	simm.s32 $0x4;
	[dreg:$0x16] =	wrdreg s25  }
0x20: {  	s0 =	sadd.s32 s0, s24;
	s24 =	sadd.s32 s2, s19;
	[dreg:$0x17] =	wrdreg s22  }
0x21: {  	s25 =	sadd.s32 $0x4, s6;
	s2 =	simm.s32 $0x1;
	[dreg:$0x12] =	wrdreg s0  }
0x22: {  	s6 =	simm.s32 $0x2;
	[dreg:$0x6] =	wrdreg s24;
	s0 =	simm.s32 $0x18000  }
.LBB2_1:
0x23: {  	[dreg:$0x1a] =	wrdreg s10  }
0x24: {  	s8 =	rddreg [dreg:$0x7]  }
0x25: {  	s10 =	rddreg [dreg:$0x8]  }
0x26: {  	s15 =	rddreg [dreg:$0x9]  }
0x27: {  	[tilespmem:s31], [sflag:$0x1] =	stream.linear.gather [hbm4b:s8+s5], $0x8000, $0x38;
	v63 =	vld [tilespmem:$0x0]  }
0x28: {  	s16 =	rddreg [dreg:$0xa];
	s15 =	sshrl.u32 s15, $0x3  }
0x29: {  	[tilespmem:s0], [sflag:$0x2] =	stream.linear.gather [hbm4b:s10+s5], $0x8000, $0x38;
	v63 =	vld [tilespmem:$0x0]  }
0x2a: {  	[spmem:s15], [sflag:s29] =	dma.local [hbm:s16], $0x1000  }
0x2b: {  	s8 =	rddreg [dreg:$0xb]  }
0x2c: {  	s17 =	rddreg [dreg:$0x19]  }
0x2d: {  	s18 =	rddreg [dreg:$0xc];
	s16 =	sor.u32 $0x1C04, s8;
	s17 =	sshrl.u32 s17, $0x3  }
0x2e: {  	[spmem:s17], [sflag:s16] =	dma.local [hbm:s18], $0x1000  }
0x2f: {  	_ =	swait.ge [sflag:s2], $0x8000  }
0x30: {  	[sflag:s2] =	ssyncset.done $0x0  }
0x31: {  	s19 =	rddreg [dreg:$0xd];
	[sflag:s2] =	ssyncadd.s32 $0xFFFF8000  }
0x32: {  	[hbm4b:s19+s5] =	stream.linear.scatter [tilespmem:s31], [sflag:$0x5], $0x8000, $0x38;
	v63 =	vld [tilespmem:$0x0]  }
0x33: {  	_ =	swait.ge [sflag:s6], $0x8000  }
0x34: {  	[sflag:s6] =	ssyncset.done $0x0  }
0x35: {  	s20 =	rddreg [dreg:$0xe];
	[sflag:s6] =	ssyncadd.s32 $0xFFFF8000  }
0x36: {  	[hbm4b:s20+s5] =	stream.linear.scatter [tilespmem:s0], [sflag:$0x6], $0x8000, $0x38;
	v63 =	vld [tilespmem:$0x0]  }
0x37: {  	_ =	swait.ge [sflag:s7], $0x1000  }
0x38: {  	[sflag:s7] =	ssyncset.done $0x0  }
0x39: {  	s18 =	sor.u32 $0x1C07, s8;
	s21 =	rddreg [dreg:$0xf];
	[sflag:s7] =	ssyncadd.s32 $0xFFFFF000  }
0x3a: {  	[hbm:s21], [sflag:s18] =	dma.local [spmem:s15], $0x1000  }
0x3b: {  	_ =	swait.ge [sflag:s9], $0x8000  }
0x3c: {  	s19 =	rddreg [dreg:$0x6]  }
0x3d: {  	s20 =	sadd.s32 $0x0, s19  }
0x3e: {  	s19 =	sadd.s32 $0x20, s20  }
0x3f: {  	p0 =	slt.s32 s19, $0x165E  }
0x40: {  	s19 =	simm.s32 @!p0 $0x165E  }
0x41: {  	[sflag:s9] =	ssyncset.done $0x0;
	s21 =	sadd.s32 $0x18, s20;
	s24 =	sshll.u32 s19, $0x9  }
0x42: {  	[sflag:s9] =	ssyncadd.s32 $0xFFFF8000;
	p0 =	slt.s32 s21, $0x165E;
	s19 =	sadd.s32 s1, s24  }
0x43: {  	[tilespmem:s31], [sflag:$0x1] =	stream.linear.gather [hbm4b:s19+s5], $0x8000, $0x38;
	v63 =	vld [tilespmem:$0x0]  }
0x44: {  	s30 =	sadd.s32 $0x28, s20;
	s21 =	simm.s32 @!p0 $0x165E;
	_ =	swait.ge [sflag:s11], $0x1000  }
0x45: {  	p0 =	slt.s32 s30, $0x165E;
	s22 =	sshll.u32 s21, $0x9;
	[sflag:s11] =	ssyncset.done $0x0  }
0x46: {  	s21 =	sadd.s32 s3, s22;
	s19 =	sor.u32 $0x1C08, s8;
	[sflag:s11] =	ssyncadd.s32 $0xFFFFF000  }
0x47: {  	[hbm:s21], [sflag:s19] =	dma.local [spmem:s17], $0x1000  }
0x48: {  	s30 =	simm.s32 @!p0 $0x165E;
	_ =	swait.ge [sflag:s12], $0x8000  }
0x49: {  	s8 =	sshll.u32 s30, $0x9;
	[sflag:s12] =	ssyncset.done $0x0  }
0x4a: {  	s30 =	sadd.s32 s1, s8;
	[sflag:s12] =	ssyncadd.s32 $0xFFFF8000  }
0x4b: {  	[tilespmem:s0], [sflag:$0x2] =	stream.linear.gather [hbm4b:s30+s5], $0x8000, $0x38;
	v63 =	vld [tilespmem:$0x0]  }
0x4c: {  	_ =	swait.ge [sflag:s2], $0x8000  }
0x4d: {  	s20 =	sadd.s32 $0x30, s20;
	[sflag:s2] =	ssyncset.done $0x0  }
0x4e: {  	p0 =	slt.s32 s20, $0x165E;
	s24 =	sadd.s32 s3, s24;
	[sflag:s2] =	ssyncadd.s32 $0xFFFF8000  }
0x4f: {  	[hbm4b:s24+s5] =	stream.linear.scatter [tilespmem:s31], [sflag:$0x5], $0x8000, $0x38;
	v63 =	vld [tilespmem:$0x0]  }
0x50: {  	s20 =	simm.s32 @!p0 $0x165E;
	_ =	swait.ge [sflag:s13], $0x1000  }
0x51: {  	s10 =	sshll.u32 s20, $0x9;
	[sflag:s13] =	ssyncset.done $0x0  }
0x52: {  	s20 =	sadd.s32 s1, s10;
	[sflag:s13] =	ssyncadd.s32 $0xFFFFF000  }
0x53: {  	[spmem:s15], [sflag:s29] =	dma.local [hbm:s20], $0x1000  }
0x54: {  	_ =	swait.ge [sflag:s6], $0x8000  }
0x55: {  	[sflag:s6] =	ssyncset.done $0x0  }
0x56: {  	s21 =	sadd.s32 s3, s8;
	[sflag:s6] =	ssyncadd.s32 $0xFFFF8000  }
0x57: {  	[hbm4b:s21+s5] =	stream.linear.scatter [tilespmem:s0], [sflag:$0x6], $0x8000, $0x38;
	v63 =	vld [tilespmem:$0x0]  }
0x58: {  	_ =	swait.ge [sflag:s14], $0x1000  }
0x59: {  	s30 =	smin.u32 s5, $0xF;
	s22 =	rddreg [dreg:$0x5]  }
0x5a: {  	s20 =	sadd.s32 s30, s22  }
0x5b: {  	s20 =	sshll.u32 s20, $0x3  }
0x5c: {  	s20 =	smin.u32 s20, $0x165E  }
0x5d: {  	[sflag:s14] =	ssyncset.done $0x0;
	s20 =	sshll.u32 s20, $0x9  }
0x5e: {  	[sflag:s14] =	ssyncadd.s32 $0xFFFFF000;
	s20 =	sadd.s32 s1, s20  }
0x5f: {  	[spmem:s17], [sflag:s16] =	dma.local [hbm:s20], $0x1000  }
0x60: {  	_ =	swait.ge [sflag:s7], $0x1000  }
0x61: {  	s24 =	sadd.s32 s3, s10;
	[sflag:s7] =	ssyncset.done $0x0  }
0x62: {  	s21 =	simm.s32 $0x4;
	s20 =	simm.s32 $0x20;
	[sflag:s7] =	ssyncadd.s32 $0xFFFFF000  }
.LBB2_2:
0x63: {  	[hbm:s24], [sflag:s18] =	dma.local [spmem:s15], $0x1000  }
0x64: {  	_ =	swait.ge [sflag:s9], $0x8000  }
0x65: {  	s22 =	smov.u32 s20;
	s30 =	rddreg [dreg:$0x6]  }
0x66: {  	s24 =	sadd.s32 s22, s30  }
0x67: {  	s30 =	sadd.s32 $0x20, s24  }
0x68: {  	p1 =	slt.s32 s30, $0x165E  }
0x69: {  	s30 =	simm.s32 @!p1 $0x165E  }
0x6a: {  	[sflag:s9] =	ssyncset.done $0x0;
	s10 =	sadd.s32 $0x18, s24;
	s30 =	sshll.u32 s30, $0x9  }
0x6b: {  	[sflag:s9] =	ssyncadd.s32 $0xFFFF8000;
	p2 =	slt.s32 s10, $0x165E;
	s22 =	sadd.s32 s1, s30  }
0x6c: {  	[tilespmem:s31], [sflag:$0x1] =	stream.linear.gather [hbm4b:s22+s5], $0x8000, $0x38;
	v63 =	vld [tilespmem:$0x0]  }
0x6d: {  	s8 =	sadd.s32 $0x28, s24;
	s10 =	simm.s32 @!p2 $0x165E;
	_ =	swait.ge [sflag:s11], $0x1000  }
0x6e: {  	s24 =	sadd.s32 $0x30, s24;
	s10 =	sshll.u32 s10, $0x9;
	[sflag:s11] =	ssyncset.done $0x0  }
0x6f: {  	p3 =	slt.s32 s8, $0x165E;
	s10 =	sadd.s32 s3, s10;
	[sflag:s11] =	ssyncadd.s32 $0xFFFFF000  }
0x70: {  	[hbm:s10], [sflag:s19] =	dma.local [spmem:s17], $0x1000  }
0x71: {  	s8 =	simm.s32 @!p3 $0x165E;
	p1 =	slt.s32 s24, $0x165E;
	_ =	swait.ge [sflag:s12], $0x8000  }
0x72: {  	s8 =	sshll.u32 s8, $0x9;
	s24 =	simm.s32 @!p1 $0x165E;
	[sflag:s12] =	ssyncset.done $0x0  }
0x73: {  	s10 =	sshll.u32 s24, $0x9;
	s24 =	sadd.s32 s1, s8;
	[sflag:s12] =	ssyncadd.s32 $0xFFFF8000  }
0x74: {  	[tilespmem:s0], [sflag:$0x2] =	stream.linear.gather [hbm4b:s24+s5], $0x8000, $0x38;
	v63 =	vld [tilespmem:$0x0]  }
0x75: {  	_ =	swait.ge [sflag:s2], $0x8000  }
0x76: {  	[sflag:s2] =	ssyncset.done $0x0  }
0x77: {  	s24 =	sadd.s32 s3, s30;
	[sflag:s2] =	ssyncadd.s32 $0xFFFF8000  }
0x78: {  	[hbm4b:s24+s5] =	stream.linear.scatter [tilespmem:s31], [sflag:$0x5], $0x8000, $0x38;
	v63 =	vld [tilespmem:$0x0]  }
0x79: {  	_ =	swait.ge [sflag:s13], $0x1000  }
0x7a: {  	[sflag:s13] =	ssyncset.done $0x0  }
0x7b: {  	s30 =	sadd.s32 s1, s10;
	[sflag:s13] =	ssyncadd.s32 $0xFFFFF000  }
0x7c: {  	[spmem:s15], [sflag:s29] =	dma.local [hbm:s30], $0x1000  }
0x7d: {  	_ =	swait.ge [sflag:s6], $0x8000  }
0x7e: {  	[sflag:s6] =	ssyncset.done $0x0  }
0x7f: {  	s8 =	sadd.s32 s3, s8;
	[sflag:s6] =	ssyncadd.s32 $0xFFFF8000  }
0x80: {  	[hbm4b:s8+s5] =	stream.linear.scatter [tilespmem:s0], [sflag:$0x6], $0x8000, $0x38;
	v63 =	vld [tilespmem:$0x0]  }
0x81: {  	_ =	swait.ge [sflag:s14], $0x1000  }
0x82: {  	s30 =	smin.u32 s21, $0xF;
	s24 =	rddreg [dreg:$0x5]  }
0x83: {  	s8 =	sadd.s32 s30, s24  }
0x84: {  	s8 =	sshll.u32 s8, $0x3  }
0x85: {  	s8 =	smin.u32 s8, $0x165E  }
0x86: {  	p0 =	sne.s32 s20, $0x80;
	[sflag:s14] =	ssyncset.done $0x0;
	s8 =	sshll.u32 s8, $0x9  }
.Ltmp0:
0x87: {  	[sflag:s14] =	ssyncadd.s32 $0xFFFFF000;
	s8 =	sadd.s32 s1, s8;
	(pc) =	sbr.rel @p0 .LBB2_2-.Ltmp0, $4  }
0x88: {  	[spmem:s17], [sflag:s16] =	dma.local [hbm:s8], $0x1000  }
0x89: {  	_ =	swait.ge [sflag:s7], $0x1000  }
0x8a: {  	s20 =	sadd.s32 $0x20, s20;
	[sflag:s7] =	ssyncset.done $0x0  }
0x8b: {  	s21 =	sadd.s32 $0x4, s21;
	s24 =	sadd.s32 s3, s10;
	[sflag:s7] =	ssyncadd.s32 $0xFFFFF000  }
0x8c: {  	[hbm:s24], [sflag:s18] =	dma.local [spmem:s15], $0x1000  }
0x8d: {  	_ =	swait.ge [sflag:s9], $0x8000  }
0x8e: {  	[sflag:s9] =	ssyncset.done $0x0  }
0x8f: {  	[sflag:s9] =	ssyncadd.s32 $0xFFFF8000  }
0x90: {  	_ =	swait.ge [sflag:s12], $0x8000  }
0x91: {  	[sflag:s12] =	ssyncset.done $0x0  }
0x92: {  	[sflag:s12] =	ssyncadd.s32 $0xFFFF8000  }
0x93: {  	_ =	swait.ge [sflag:s13], $0x1000  }
0x94: {  	[sflag:s13] =	ssyncset.done $0x0  }
0x95: {  	[sflag:s13] =	ssyncadd.s32 $0xFFFFF000  }
0x96: {  	_ =	swait.ge [sflag:s11], $0x1000  }
0x97: {  	[sflag:s11] =	ssyncset.done $0x0;
	s8 =	rddreg [dreg:$0x10]  }
0x98: {  	s20 =	simm.s32 $0x0;
	s10 =	rddreg [dreg:$0x11];
	[sflag:s11] =	ssyncadd.s32 $0xFFFFF000  }
0x99: {  	[tilespmem:s31], [sflag:$0x1] =	stream.linear.gather [hbm4b:s8+s20], $0x8000, $0x38;
	v63 =	vld [tilespmem:$0x0]  }
0x9a: {  	s21 =	rddreg [dreg:$0x13]  }
0x9b: {  	[tilespmem:s0], [sflag:$0x2] =	stream.linear.gather [hbm4b:s10+s20], $0x8000, $0x38;
	v63 =	vld [tilespmem:$0x0]  }
0x9c: {  	[spmem:s15], [sflag:s29] =	dma.local [hbm:s21], $0x1000  }
0x9d: {  	s8 =	rddreg [dreg:$0x12]  }
0x9e: {  	[spmem:s17], [sflag:s16] =	dma.local [hbm:s8], $0x1000  }
0x9f: {  	_ =	swait.ge [sflag:s2], $0x8000  }
0xa0: {  	[sflag:s2] =	ssyncset.done $0x0  }
0xa1: {  	s22 =	rddreg [dreg:$0x14];
	[sflag:s2] =	ssyncadd.s32 $0xFFFF8000  }
0xa2: {  	[hbm4b:s22+s20] =	stream.linear.scatter [tilespmem:s31], [sflag:$0x5], $0x8000, $0x38;
	v63 =	vld [tilespmem:$0x0]  }
0xa3: {  	_ =	swait.ge [sflag:s6], $0x8000  }
0xa4: {  	[sflag:s6] =	ssyncset.done $0x0  }
0xa5: {  	s24 =	rddreg [dreg:$0x15];
	[sflag:s6] =	ssyncadd.s32 $0xFFFF8000  }
0xa6: {  	[hbm4b:s24+s20] =	stream.linear.scatter [tilespmem:s0], [sflag:$0x6], $0x8000, $0x38;
	v63 =	vld [tilespmem:$0x0]  }
0xa7: {  	_ =	swait.ge [sflag:s7], $0x1000  }
0xa8: {  	[sflag:s7] =	ssyncset.done $0x0  }
0xa9: {  	s30 =	rddreg [dreg:$0x16];
	[sflag:s7] =	ssyncadd.s32 $0xFFFFF000  }
0xaa: {  	[hbm:s30], [sflag:s18] =	dma.local [spmem:s15], $0x1000  }
0xab: {  	p0 =	por $0x1, $0x1;
	s22 =	rddreg [dreg:$0x17]  }
.LBB2_4:
0xac: {  	s8 =	sadd.s32 s25, s20  }
0xad: {  	s8 =	sshll.u32 s8, $0x3  }
0xae: {  	_ =	swait.ge [sflag:s9], $0x8000;
	s8 =	smin.u32 s8, $0x992  }
0xaf: {  	[sflag:s9] =	ssyncset.done $0x0;
	s8 =	sshll.u32 s8, $0x9  }
0xb0: {  	s30 =	sadd.s32 s20, s22;
	[sflag:s9] =	ssyncadd.s32 $0xFFFF8000;
	s10 =	sadd.s32 s1, s8  }
0xb1: {  	[tilespmem:s31], [sflag:$0x1] =	stream.linear.gather [hbm4b:s10+s5], $0x8000, $0x38;
	v63 =	vld [tilespmem:$0x0]  }
0xb2: {  	s21 =	simm.s32 $0x4;
	s10 =	sshll.u32 s30, $0x3  }
0xb3: {  	_ =	swait.ge [sflag:s21], $0x1000;
	s10 =	smin.u32 s10, $0x992  }
0xb4: {  	[sflag:s21] =	ssyncset.done $0x0;
	s10 =	sshll.u32 s10, $0x9  }
0xb5: {  	s24 =	sadd.s32 s26, s20;
	[sflag:s21] =	ssyncadd.s32 $0xFFFFF000;
	s10 =	sadd.s32 s4, s10  }
0xb6: {  	[hbm:s10], [sflag:s19] =	dma.local [spmem:s17], $0x1000  }
0xb7: {  	s10 =	sshll.u32 s24, $0x3  }
0xb8: {  	_ =	swait.ge [sflag:s12], $0x8000;
	s10 =	smin.u32 s10, $0x992  }
0xb9: {  	[sflag:s12] =	ssyncset.done $0x0;
	s10 =	sshll.u32 s10, $0x9  }
0xba: {  	[sflag:s12] =	ssyncadd.s32 $0xFFFF8000;
	s30 =	sadd.s32 s1, s10  }
0xbb: {  	[tilespmem:s0], [sflag:$0x2] =	stream.linear.gather [hbm4b:s30+s5], $0x8000, $0x38;
	v63 =	vld [tilespmem:$0x0]  }
0xbc: {  	_ =	swait.ge [sflag:s2], $0x8000  }
0xbd: {  	[sflag:s2] =	ssyncset.done $0x0  }
0xbe: {  	s8 =	sadd.s32 s4, s8;
	s21 =	sadd.s32 s28, s20;
	[sflag:s2] =	ssyncadd.s32 $0xFFFF8000  }
0xbf: {  	[hbm4b:s8+s5] =	stream.linear.scatter [tilespmem:s31], [sflag:$0x5], $0x8000, $0x38;
	v63 =	vld [tilespmem:$0x0]  }
0xc0: {  	s8 =	sshll.u32 s21, $0x3  }
0xc1: {  	_ =	swait.ge [sflag:s13], $0x1000;
	s8 =	smin.u32 s8, $0x992  }
0xc2: {  	[sflag:s13] =	ssyncset.done $0x0;
	s8 =	sshll.u32 s8, $0x9  }
0xc3: {  	[sflag:s13] =	ssyncadd.s32 $0xFFFFF000;
	s24 =	sadd.s32 s1, s8  }
0xc4: {  	[spmem:s15], [sflag:s29] =	dma.local [hbm:s24], $0x1000  }
0xc5: {  	_ =	swait.ge [sflag:s6], $0x8000  }
0xc6: {  	[sflag:s6] =	ssyncset.done $0x0  }
0xc7: {  	s10 =	sadd.s32 s4, s10;
	s30 =	smin.u32 s20, $0x3;
	[sflag:s6] =	ssyncadd.s32 $0xFFFF8000  }
0xc8: {  	[hbm4b:s10+s5] =	stream.linear.scatter [tilespmem:s0], [sflag:$0x6], $0x8000, $0x38;
	v63 =	vld [tilespmem:$0x0]  }
0xc9: {  	s10 =	sadd.s32 s30, s23  }
0xca: {  	s10 =	sshll.u32 s10, $0x3  }
0xcb: {  	_ =	swait.ge [sflag:s14], $0x1000;
	s10 =	smin.u32 s10, $0x992  }
0xcc: {  	[sflag:s14] =	ssyncset.done $0x0;
	s10 =	sshll.u32 s10, $0x9  }
0xcd: {  	p1 =	por p0, p0;
	[sflag:s14] =	ssyncadd.s32 $0xFFFFF000;
	s10 =	sadd.s32 s1, s10  }
0xce: {  	[spmem:s17], [sflag:s16] =	dma.local [hbm:s10], $0x1000  }
.Ltmp1:
0xcf: {  	_ = 	snop;
	(pc) =	sbr.rel @p1 .LBB2_4-.Ltmp1, $4  }
0xd0: {  	_ =	swait.ge [sflag:s7], $0x1000  }
0xd1: {  	p0 =	por $0x0, $0x0;
	[sflag:s7] =	ssyncset.done $0x0  }
0xd2: {  	s20 =	simm.s32 $0x4;
	s8 =	sadd.s32 s4, s8;
	[sflag:s7] =	ssyncadd.s32 $0xFFFFF000  }
0xd3: {  	[hbm:s8], [sflag:s18] =	dma.local [spmem:s15], $0x1000  }
0xd4: {  	_ =	swait.ge [sflag:s9], $0x8000  }
0xd5: {  	[sflag:s9] =	ssyncset.done $0x0  }
0xd6: {  	[sflag:s9] =	ssyncadd.s32 $0xFFFF8000  }
0xd7: {  	_ =	swait.ge [sflag:s12], $0x8000  }
0xd8: {  	[sflag:s12] =	ssyncset.done $0x0  }
0xd9: {  	[sflag:s12] =	ssyncadd.s32 $0xFFFF8000  }
0xda: {  	_ =	swait.ge [sflag:s13], $0x1000  }
0xdb: {  	[sflag:s13] =	ssyncset.done $0x0  }
0xdc: {  	[sflag:s13] =	ssyncadd.s32 $0xFFFFF000  }
0xdd: {  	_ =	swait.ge [sflag:s11], $0x1000  }
0xde: {  	s10 =	rddreg [dreg:$0x1a]  }
0xdf: {  	s8 =	rddreg [dreg:$0x18];
	s10 =	sadd.s32 $0x1, s10  }
0xe0: {  	p0 =	sne.s32 s10, s8  }
.Ltmp2:
0xe1: {  	_ = 	snop;
	(pc) =	sbr.rel @p0 .LBB2_1-.Ltmp2, $3  }
0xe2: {  	_ =	sdelay $0x1  }
0xe3: {  	[sflag:s11] =	ssyncset.done $0x0  }
0xe4: {  	[sflag:s11] =	ssyncadd.s32 $0xFFFFF000  }
0xe5: {  	_ =	sfence.sel $0x180000  }
0xe6: {  	[bflag:$0x0] =	sbarrier.arrive $0xFFFF  }
0xe7: {  	_ =	strace $0x90000047  }
0xe8: {  	s0 =	stileid.u32;
	[bflag:$0x2] =	sbarrier.arrive $0xFFFF  }
0xe9: {  	p0 =	sne.s32 s0, $0x0;
	s0 =	rddreg [dreg:$0x4]  }
0xea: {  	s0 =	sadd.s32 @!p0 $0x100000, s0  }
0xeb: {  	[sflag:s0] =	ssyncadd.tile.s32 @!p0 $0x1;
	_ =	shalt  }
.Lfunc_end2:
_tile_overlayer_lowered:
.L_overlay_start_2:
0xec: {  	(tag) =	ssettag $0x2  }
0xed: {  	s0 =	rddreg [dreg:$0x0];
	s2 =	stileid.u32  }
0xee: {  	s1 =	rddreg [dreg:$0x1];
	p0 =	sne.s32 s2, $0x0  }
0xef: {  	s3 =	rddreg [dreg:$0x2];
	[bflag:$0x3] =	sbarrier.arrive $0xFFFF;
	s2 =	simm.s32 @!p0 $0x1C09  }
0xf0: {  	[timem:s3], [sflag:s2] =	dma.local @!p0 [hbm:s0], s1  }
0xf1: {  	s0 =	simm.s32 @!p0 $0x9  }
0xf2: {  	_ =	swait.ge @!p0 [sflag:s0], s1  }
0xf3: {  	s1 =	ssub.s32 @!p0 $0x0, s1;
	[sflag:s0] =	ssyncset.done @!p0 $0x0  }
0xf4: {  	[sflag:s0] =	ssyncadd.s32 @!p0 s1  }
0xf5: {  	[bflag:$0x3] =	sbarrier.arrive $0xFFFF  }
0xf6: {  	_ =	shalt  }

</sc_bundles>
